<compile_context>
chip_gen: v7x
topology: tpu7x:2x2x1
jax: 0.10.2.dev20260603
libtpu: 0.0.44.dev20260713+nightly
codegen_flags: <defaults>
</compile_context>

<pallas_src>
import functools

import jax
import jax.numpy as jnp
from jax import lax
from jax.experimental import pallas as pl
from jax.experimental.pallas import tpu as pltpu
import jax.experimental.pallas.tpu_sc as plsc

B = 4096
L = 50
D = 128
HID = 128
NCLS = 1000
THRESH = 0.15

NC, NS = 2, 16
NW = NC * NS
BPW = B // NW
BPC = 2
ROWS = BPC * L
CHUNKS = BPW // BPC
NLANE = 8


def _pool_body(x_hbm, table_hbm, out_hbm, idx_v, rows_v, acc_v, sem0, sem1):
    cid = lax.axis_index("c")
    sid = lax.axis_index("s")
    wid = sid * NC + cid

    pltpu.sync_copy(x_hbm.at[pl.ds(wid * CHUNKS, CHUNKS)], idx_v)

    sems = (sem0, sem1)

    def start_gather(chunk, buf):
        chunk = jnp.minimum(chunk, CHUNKS - 1)
        pltpu.async_copy(
            table_hbm.at[idx_v.at[chunk]], rows_v.at[buf], sems[buf])

    def wait_gather(buf):
        pltpu.make_async_copy(
            table_hbm.at[idx_v.at[0]], rows_v.at[buf], sems[buf]).wait()

    def reduce_chunk(chunk, buf):
        def body(r, accs):
            new = []
            for j in range(BPC):
                for k in range(NLANE):
                    new.append(accs[j * NLANE + k]
                               + rows_v[buf, j * L + r, pl.ds(k * 16, 16)])
            return tuple(new)

        init = tuple(jnp.zeros((16,), jnp.float32) for _ in range(BPC * NLANE))
        accs = lax.fori_loop(0, L, body, init)
        for j in range(BPC):
            row = chunk * BPC + j
            for k in range(NLANE):
                acc_v[row, pl.ds(k * 16, 16)] = accs[j * NLANE + k]

    start_gather(jnp.int32(0), 0)

    def outer(g, _):
        c0 = g * 2
        start_gather(c0 + 1, 1)
        wait_gather(0)
        reduce_chunk(c0, 0)
        start_gather(c0 + 2, 0)
        wait_gather(1)
        reduce_chunk(c0 + 1, 1)
        return 0

    lax.fori_loop(0, CHUNKS // 2, outer, 0)
    wait_gather(0)

    pltpu.sync_copy(acc_v, out_hbm.at[pl.ds(wid * BPW, BPW)])


@functools.partial(jax.jit, static_argnames=())
def _pool(x2, emb_table):
    mesh = plsc.VectorSubcoreMesh(core_axis_name="c", subcore_axis_name="s",
                                  num_cores=NC, num_subcores=NS)
    return pl.kernel(
        _pool_body,
        out_type=jax.ShapeDtypeStruct((B, D), jnp.float32),
        mesh=mesh,
        scratch_types=[
            pltpu.VMEM((CHUNKS, ROWS), jnp.int32),
            pltpu.VMEM((2, ROWS, D), jnp.float32),
            pltpu.VMEM((BPW, D), jnp.float32),
            pltpu.SemaphoreType.DMA,
            pltpu.SemaphoreType.DMA,
        ],
    )(x2, emb_table)


def _mlp_body(x_ref, w1_ref, b1_ref, w2t_ref, b2t_ref, ot_ref):
    xm = x_ref[...] / jnp.float32(L)
    h = jnp.dot(xm, w1_ref[...], preferred_element_type=jnp.float32)
    h = h + b1_ref[...]
    h = jnp.where(h >= THRESH, h, 0.0)
    ot = lax.dot_general(w2t_ref[...], h, (((1,), (1,)), ((), ())),
                         preferred_element_type=jnp.float32)
    ot_ref[...] = ot + b2t_ref[...]


def _mlp(pooled, w1, b1, w2t, b2t):
    blk = 512
    return pl.pallas_call(
        _mlp_body,
        grid=(B // blk,),
        in_specs=[
            pl.BlockSpec((blk, D), lambda i: (i, 0)),
            pl.BlockSpec((D, HID), lambda i: (0, 0)),
            pl.BlockSpec((1, HID), lambda i: (0, 0)),
            pl.BlockSpec((NCLS, HID), lambda i: (0, 0)),
            pl.BlockSpec((NCLS, 1), lambda i: (0, 0)),
        ],
        out_specs=pl.BlockSpec((NCLS, blk), lambda i: (0, i)),
        out_shape=jax.ShapeDtypeStruct((NCLS, B), jnp.float32),
    )(pooled, w1, b1, w2t, b2t)


def kernel(x, emb_table, W1, b1, W2, b2):
    x2 = x.reshape(NW * CHUNKS, ROWS)
    pooled = _pool(x2, emb_table)
    out_t = _mlp(pooled, W1, b1.reshape(1, HID), W2.T, b2.reshape(NCLS, 1))
    return out_t.T

# --- scband reference (transcript-rebuilt; emitter-appended) ---
"""Pipeline reference for scband-robust-text-classifier-82858509074982 (READ-ONLY COPY).

The authoritative reference and input builder live on the scoring server;
editing this copy changes nothing except your own understanding.
"""

import jax, jax.numpy as jnp
import numpy as np

VOCAB = 100000
EMBED_DIM = 128
HIDDEN = 128
NUM_CLASSES = 1000
T = 0.15


def setup_inputs(seed: int = 0) -> dict:
    key = jax.random.key(seed)
    k_x, k_emb, k_w1, k_b1, k_w2, k_b2 = jax.random.split(key, 6)
    x = jax.random.randint(k_x, (4096, 50), 0, VOCAB, dtype=jnp.int32)
    emb_table = jax.random.normal(k_emb, (VOCAB, EMBED_DIM), dtype=jnp.float32)
    # torch Linear stores weight as [out, in]; we keep [in, out] and matmul directly
    W1 = jax.random.normal(k_w1, (EMBED_DIM, HIDDEN), dtype=jnp.float32) * (1.0 / np.sqrt(EMBED_DIM))
    b1 = jax.random.normal(k_b1, (HIDDEN,), dtype=jnp.float32) * 0.01
    W2 = jax.random.normal(k_w2, (HIDDEN, NUM_CLASSES), dtype=jnp.float32) * (1.0 / np.sqrt(HIDDEN))
    b2 = jax.random.normal(k_b2, (NUM_CLASSES,), dtype=jnp.float32) * 0.01
    return {"x": x, "emb_table": emb_table, "W1": W1, "b1": b1, "W2": W2, "b2": b2}


def reference(x, emb_table, W1, b1, W2, b2):
    # embedding lookup + mean over sequence dim
    emb = jnp.take(emb_table, x, axis=0)           # [B, L, D]
    emb = jnp.mean(emb, axis=1)                    # [B, D]
    # GaussianNoise: identity in eval mode
    h = emb @ W1 + b1                              # [B, 128]
    # BReLU with threshold t: zero out activations below t
    h = jnp.where(h >= T, h, 0.0)
    out = h @ W2 + b2                              # [B, num_classes]
    return out

if __name__ == "__main__":
    import jax
    _d = setup_inputs()
    print(jax.jit(kernel)(*tuple(_d.values())))

</pallas_src>

<mosaic_0001>
#map = affine_map<(d0, d1) -> (0, 0)>
module attributes {stable_mosaic.version = 14 : i64} {
  func.func @_pool_body(%arg0: i32, %arg1: i32, %arg2: memref<2048x100xi32, #tpu.memory_space<hbm>>, %arg3: memref<100000x128xf32, #tpu.memory_space<hbm>>, %arg4: memref<4096x128xf32, #tpu.memory_space<hbm>>, %arg5: memref<64x100xi32, #tpu.memory_space<vmem>>, %arg6: memref<2x100x128xf32, #tpu.memory_space<vmem>>, %arg7: memref<128x128xf32, #tpu.memory_space<vmem>>, %arg8: memref<!tpu.dma_semaphore, #tpu.memory_space<semaphore_mem>>, %arg9: memref<!tpu.dma_semaphore, #tpu.memory_space<semaphore_mem>>) attributes {dimension_semantics = [#tpu.dimension_semantics<core_parallel>, #tpu.dimension_semantics<subcore_parallel>], iteration_bounds = array<i64: 2, 16>, scalar_prefetch = 0 : i64, scratch_operands = 5 : i64, tpu.core_type = #tpu.core_type<sc_vector_subcore>, window_params = [{transform_indices = #map}, {transform_indices = #map}, {transform_indices = #map}]} {
    %mul3A = arith.constant 2 : i32
    %mul3A_0 = arith.muli %arg1, %mul3A : i32
    %add3A = arith.addi %mul3A_0, %arg0 : i32
    %mul3A_1 = arith.constant 64 : i32
    %mul3A_2 = arith.muli %add3A, %mul3A_1 : i32
    "tpu.region"() ({
      %run_scoped3A = tpu.sem_alloc : memref<!tpu.dma_semaphore, #tpu.memory_space<semaphore_mem>>
      %dma_start3A_34 = arith.constant 0 : i32
      %dma_start3A_35 = tpu.memref_slice %arg2[%mul3A_2, %dma_start3A_34] : memref<2048x100xi32, #tpu.memory_space<hbm>> -> memref<64x100xi32, #tpu.memory_space<hbm>>
      %dma_start3A_36 = arith.constant 0 : i32
      %dma_start3A_37 = tpu.memref_slice %arg2[%mul3A_2, %dma_start3A_36] : memref<2048x100xi32, #tpu.memory_space<hbm>> -> memref<64x100xi32, #tpu.memory_space<hbm>>
      tpu.enqueue_dma source(%dma_start3A_37 : memref<64x100xi32, #tpu.memory_space<hbm>>) target(%arg5 : memref<64x100xi32, #tpu.memory_space<vmem>>) target_semaphore(%run_scoped3A : memref<!tpu.dma_semaphore, #tpu.memory_space<semaphore_mem>>)
      %dma_wait3A_38 = arith.constant 0 : i32
      %dma_wait3A_39 = tpu.memref_slice %arg2[%mul3A_2, %dma_wait3A_38] : memref<2048x100xi32, #tpu.memory_space<hbm>> -> memref<64x100xi32, #tpu.memory_space<hbm>>
      %dma_wait3A_40 = arith.constant 0 : i32
      %dma_wait3A_41 = tpu.memref_slice %arg2[%mul3A_2, %dma_wait3A_40] : memref<2048x100xi32, #tpu.memory_space<hbm>> -> memref<64x100xi32, #tpu.memory_space<hbm>>
      tpu.wait_dma2 semaphore(%run_scoped3A : memref<!tpu.dma_semaphore, #tpu.memory_space<semaphore_mem>>) src(%dma_wait3A_41 : memref<64x100xi32, #tpu.memory_space<hbm>>) dst(%arg5 : memref<64x100xi32, #tpu.memory_space<vmem>>)
      tpu.yield
    }) : () -> ()
    %min3A = arith.constant 0 : i32
    %min3A_3 = arith.constant 63 : i32
    %min3A_4 = arith.minsi %min3A, %min3A_3 : i32
    %dma_start3A = arith.constant 0 : i32
    %dma_start3A_5 = arith.constant 0 : i32
    %dma_start3A_6 = arith.constant 0 : i32
    %dma_start3A_7 = tpu.memref_slice %arg6[%dma_start3A, %dma_start3A_5, %dma_start3A_6] : memref<2x100x128xf32, #tpu.memory_space<vmem>> -> memref<1x100x128xf32, #tpu.memory_space<vmem>>
    %dma_start3A_8 = tpu.memref_squeeze %dma_start3A_7 : memref<1x100x128xf32, #tpu.memory_space<vmem>> -> memref<100x128xf32, #tpu.memory_space<vmem>>
    %dma_start3A_9 = arith.constant 0 : i32
    %dma_start3A_10 = tpu.memref_slice %arg5[%min3A_4, %dma_start3A_9] : memref<64x100xi32, #tpu.memory_space<vmem>> -> memref<1x100xi32, #tpu.memory_space<vmem>>
    %dma_start3A_11 = tpu.memref_squeeze %dma_start3A_10 : memref<1x100xi32, #tpu.memory_space<vmem>> -> memref<100xi32, #tpu.memory_space<vmem>>
    %dma_start3A_12 = arith.constant 0 : i32
    %dma_start3A_13 = arith.constant 0 : i32
    %dma_start3A_14 = tpu.memref_slice %arg3[%dma_start3A_12, %dma_start3A_13] : memref<100000x128xf32, #tpu.memory_space<hbm>> -> memref<100000x128xf32, #tpu.memory_space<hbm>>
    tpu.enqueue_indirect_dma source(%dma_start3A_14 : memref<100000x128xf32, #tpu.memory_space<hbm>>) target(%dma_start3A_8 : memref<100x128xf32, #tpu.memory_space<vmem>>) offsets(%dma_start3A_11 : memref<100xi32, #tpu.memory_space<vmem>>) semaphore(%arg8 : memref<!tpu.dma_semaphore, #tpu.memory_space<semaphore_mem>>)
    %scan3A = arith.constant 0 : i32
    %scan3A_15 = arith.constant 0 : i32
    %scan3A_16 = arith.constant 32 : i32
    %scan3A_17 = arith.addi %scan3A_15, %scan3A_16 : i32
    %scan3A_18 = arith.constant 1 : i32
    %scan3A_19 = scf.for %scan3A_34 = %scan3A_15 to %scan3A_17 step %scan3A_18 iter_args(%scan3A_35 = %scan3A) -> (i32)  : i32 {
      %mul3A_36 = arith.constant 2 : i32
      %mul3A_37 = arith.muli %scan3A_34, %mul3A_36 : i32
      %add3A_38 = arith.constant 1 : i32
      %add3A_39 = arith.addi %mul3A_37, %add3A_38 : i32
      %min3A_40 = arith.constant 63 : i32
      %min3A_41 = arith.minsi %add3A_39, %min3A_40 : i32
      %dma_start3A_42 = arith.constant 1 : i32
      %dma_start3A_43 = arith.constant 0 : i32
      %dma_start3A_44 = arith.constant 0 : i32
      %dma_start3A_45 = tpu.memref_slice %arg6[%dma_start3A_42, %dma_start3A_43, %dma_start3A_44] : memref<2x100x128xf32, #tpu.memory_space<vmem>> -> memref<1x100x128xf32, #tpu.memory_space<vmem>>
      %dma_start3A_46 = tpu.memref_squeeze %dma_start3A_45 : memref<1x100x128xf32, #tpu.memory_space<vmem>> -> memref<100x128xf32, #tpu.memory_space<vmem>>
      %dma_start3A_47 = arith.constant 0 : i32
      %dma_start3A_48 = tpu.memref_slice %arg5[%min3A_41, %dma_start3A_47] : memref<64x100xi32, #tpu.memory_space<vmem>> -> memref<1x100xi32, #tpu.memory_space<vmem>>
      %dma_start3A_49 = tpu.memref_squeeze %dma_start3A_48 : memref<1x100xi32, #tpu.memory_space<vmem>> -> memref<100xi32, #tpu.memory_space<vmem>>
      %dma_start3A_50 = arith.constant 0 : i32
      %dma_start3A_51 = arith.constant 0 : i32
      %dma_start3A_52 = tpu.memref_slice %arg3[%dma_start3A_50, %dma_start3A_51] : memref<100000x128xf32, #tpu.memory_space<hbm>> -> memref<100000x128xf32, #tpu.memory_space<hbm>>
      tpu.enqueue_indirect_dma source(%dma_start3A_52 : memref<100000x128xf32, #tpu.memory_space<hbm>>) target(%dma_start3A_46 : memref<100x128xf32, #tpu.memory_space<vmem>>) offsets(%dma_start3A_49 : memref<100xi32, #tpu.memory_space<vmem>>) semaphore(%arg9 : memref<!tpu.dma_semaphore, #tpu.memory_space<semaphore_mem>>)
      %dma_wait3A_53 = arith.constant 0 : i32
      %dma_wait3A_54 = arith.constant 0 : i32
      %dma_wait3A_55 = arith.constant 0 : i32
      %dma_wait3A_56 = arith.constant 0 : i32
      %dma_wait3A_57 = tpu.memref_slice %arg6[%dma_wait3A_54, %dma_wait3A_55, %dma_wait3A_56] : memref<2x100x128xf32, #tpu.memory_space<vmem>> -> memref<1x100x128xf32, #tpu.memory_space<vmem>>
      %dma_wait3A_58 = tpu.memref_squeeze %dma_wait3A_57 : memref<1x100x128xf32, #tpu.memory_space<vmem>> -> memref<100x128xf32, #tpu.memory_space<vmem>>
      %dma_wait3A_59 = arith.constant 0 : i32
      %dma_wait3A_60 = tpu.memref_slice %arg5[%dma_wait3A_53, %dma_wait3A_59] : memref<64x100xi32, #tpu.memory_space<vmem>> -> memref<1x100xi32, #tpu.memory_space<vmem>>
      %dma_wait3A_61 = tpu.memref_squeeze %dma_wait3A_60 : memref<1x100xi32, #tpu.memory_space<vmem>> -> memref<100xi32, #tpu.memory_space<vmem>>
      %dma_wait3A_62 = arith.constant 0 : i32
      %dma_wait3A_63 = arith.constant 0 : i32
      %dma_wait3A_64 = tpu.memref_slice %arg3[%dma_wait3A_62, %dma_wait3A_63] : memref<100000x128xf32, #tpu.memory_space<hbm>> -> memref<100000x128xf32, #tpu.memory_space<hbm>>
      tpu.wait_indirect_dma semaphore(%arg8 : memref<!tpu.dma_semaphore, #tpu.memory_space<semaphore_mem>>) src(%dma_wait3A_64 : memref<100000x128xf32, #tpu.memory_space<hbm>>) dst(%dma_wait3A_58 : memref<100x128xf32, #tpu.memory_space<vmem>>)
      %broadcast_in_dim3A = arith.constant 0.000000e+00 : f32
      %broadcast_in_dim3A_65 = vector.broadcast %broadcast_in_dim3A : f32 to vector<16xf32>
      %broadcast_in_dim3A_66 = arith.constant 0.000000e+00 : f32
      %broadcast_in_dim3A_67 = vector.broadcast %broadcast_in_dim3A_66 : f32 to vector<16xf32>
      %broadcast_in_dim3A_68 = arith.constant 0.000000e+00 : f32
      %broadcast_in_dim3A_69 = vector.broadcast %broadcast_in_dim3A_68 : f32 to vector<16xf32>
      %broadcast_in_dim3A_70 = arith.constant 0.000000e+00 : f32
      %broadcast_in_dim3A_71 = vector.broadcast %broadcast_in_dim3A_70 : f32 to vector<16xf32>
      %broadcast_in_dim3A_72 = arith.constant 0.000000e+00 : f32
      %broadcast_in_dim3A_73 = vector.broadcast %broadcast_in_dim3A_72 : f32 to vector<16xf32>
      %broadcast_in_dim3A_74 = arith.constant 0.000000e+00 : f32
      %broadcast_in_dim3A_75 = vector.broadcast %broadcast_in_dim3A_74 : f32 to vector<16xf32>
      %broadcast_in_dim3A_76 = arith.constant 0.000000e+00 : f32
      %broadcast_in_dim3A_77 = vector.broadcast %broadcast_in_dim3A_76 : f32 to vector<16xf32>
      %broadcast_in_dim3A_78 = arith.constant 0.000000e+00 : f32
      %broadcast_in_dim3A_79 = vector.broadcast %broadcast_in_dim3A_78 : f32 to vector<16xf32>
      %broadcast_in_dim3A_80 = arith.constant 0.000000e+00 : f32
      %broadcast_in_dim3A_81 = vector.broadcast %broadcast_in_dim3A_80 : f32 to vector<16xf32>
      %broadcast_in_dim3A_82 = arith.constant 0.000000e+00 : f32
      %broadcast_in_dim3A_83 = vector.broadcast %broadcast_in_dim3A_82 : f32 to vector<16xf32>
      %broadcast_in_dim3A_84 = arith.constant 0.000000e+00 : f32
      %broadcast_in_dim3A_85 = vector.broadcast %broadcast_in_dim3A_84 : f32 to vector<16xf32>
      %broadcast_in_dim3A_86 = arith.constant 0.000000e+00 : f32
      %broadcast_in_dim3A_87 = vector.broadcast %broadcast_in_dim3A_86 : f32 to vector<16xf32>
      %broadcast_in_dim3A_88 = arith.constant 0.000000e+00 : f32
      %broadcast_in_dim3A_89 = vector.broadcast %broadcast_in_dim3A_88 : f32 to vector<16xf32>
      %broadcast_in_dim3A_90 = arith.constant 0.000000e+00 : f32
      %broadcast_in_dim3A_91 = vector.broadcast %broadcast_in_dim3A_90 : f32 to vector<16xf32>
      %broadcast_in_dim3A_92 = arith.constant 0.000000e+00 : f32
      %broadcast_in_dim3A_93 = vector.broadcast %broadcast_in_dim3A_92 : f32 to vector<16xf32>
      %broadcast_in_dim3A_94 = arith.constant 0.000000e+00 : f32
      %broadcast_in_dim3A_95 = vector.broadcast %broadcast_in_dim3A_94 : f32 to vector<16xf32>
      %scan3A_96 = arith.constant 0 : i32
      %scan3A_97 = arith.constant 50 : i32
      %scan3A_98 = arith.addi %scan3A_96, %scan3A_97 : i32
      %scan3A_99 = arith.constant 1 : i32
      %scan3A_100:16 = scf.for %scan3A_345 = %scan3A_96 to %scan3A_98 step %scan3A_99 iter_args(%scan3A_346 = %broadcast_in_dim3A_65, %scan3A_347 = %broadcast_in_dim3A_67, %scan3A_348 = %broadcast_in_dim3A_69, %scan3A_349 = %broadcast_in_dim3A_71, %scan3A_350 = %broadcast_in_dim3A_73, %scan3A_351 = %broadcast_in_dim3A_75, %scan3A_352 = %broadcast_in_dim3A_77, %scan3A_353 = %broadcast_in_dim3A_79, %scan3A_354 = %broadcast_in_dim3A_81, %scan3A_355 = %broadcast_in_dim3A_83, %scan3A_356 = %broadcast_in_dim3A_85, %scan3A_357 = %broadcast_in_dim3A_87, %scan3A_358 = %broadcast_in_dim3A_89, %scan3A_359 = %broadcast_in_dim3A_91, %scan3A_360 = %broadcast_in_dim3A_93, %scan3A_361 = %broadcast_in_dim3A_95) -> (vector<16xf32>, vector<16xf32>, vector<16xf32>, vector<16xf32>, vector<16xf32>, vector<16xf32>, vector<16xf32>, vector<16xf32>, vector<16xf32>, vector<16xf32>, vector<16xf32>, vector<16xf32>, vector<16xf32>, vector<16xf32>, vector<16xf32>, vector<16xf32>)  : i32 {
        %add3A_362 = arith.constant 0 : i32
        %add3A_363 = arith.addi %add3A_362, %scan3A_345 : i32
        %get3A = arith.constant 0 : i32
        %get3A_364 = arith.index_cast %get3A : i32 to index
        %get3A_365 = arith.index_cast %add3A_363 : i32 to index
        %get3A_366 = arith.constant 0 : index
        %get3A_367 = tpu.vector_load %arg6[%get3A_364, %get3A_365, %get3A_366] {strides = array<i32>} : memref<2x100x128xf32, #tpu.memory_space<vmem>>, vector<1x1x16xf32>,
        %get3A_368 = vector.shape_cast %get3A_367 : vector<1x1x16xf32> to vector<16xf32>
        %add3A_369 = arith.addf %scan3A_346, %get3A_368 : vector<16xf32>
        %add3A_370 = arith.constant 0 : i32
        %add3A_371 = arith.addi %add3A_370, %scan3A_345 : i32
        %get3A_372 = arith.constant 0 : i32
        %get3A_373 = arith.index_cast %get3A_372 : i32 to index
        %get3A_374 = arith.index_cast %add3A_371 : i32 to index
        %get3A_375 = arith.constant 16 : index
        %get3A_376 = tpu.vector_load %arg6[%get3A_373, %get3A_374, %get3A_375] {strides = array<i32>} : memref<2x100x128xf32, #tpu.memory_space<vmem>>, vector<1x1x16xf32>,
        %get3A_377 = vector.shape_cast %get3A_376 : vector<1x1x16xf32> to vector<16xf32>
        %add3A_378 = arith.addf %scan3A_347, %get3A_377 : vector<16xf32>
        %add3A_379 = arith.constant 0 : i32
        %add3A_380 = arith.addi %add3A_379, %scan3A_345 : i32
        %get3A_381 = arith.constant 0 : i32
        %get3A_382 = arith.index_cast %get3A_381 : i32 to index
        %get3A_383 = arith.index_cast %add3A_380 : i32 to index
        %get3A_384 = arith.constant 32 : index
        %get3A_385 = tpu.vector_load %arg6[%get3A_382, %get3A_383, %get3A_384] {strides = array<i32>} : memref<2x100x128xf32, #tpu.memory_space<vmem>>, vector<1x1x16xf32>,
        %get3A_386 = vector.shape_cast %get3A_385 : vector<1x1x16xf32> to vector<16xf32>
        %add3A_387 = arith.addf %scan3A_348, %get3A_386 : vector<16xf32>
        %add3A_388 = arith.constant 0 : i32
        %add3A_389 = arith.addi %add3A_388, %scan3A_345 : i32
        %get3A_390 = arith.constant 0 : i32
        %get3A_391 = arith.index_cast %get3A_390 : i32 to index
        %get3A_392 = arith.index_cast %add3A_389 : i32 to index
        %get3A_393 = arith.constant 48 : index
        %get3A_394 = tpu.vector_load %arg6[%get3A_391, %get3A_392, %get3A_393] {strides = array<i32>} : memref<2x100x128xf32, #tpu.memory_space<vmem>>, vector<1x1x16xf32>,
        %get3A_395 = vector.shape_cast %get3A_394 : vector<1x1x16xf32> to vector<16xf32>
        %add3A_396 = arith.addf %scan3A_349, %get3A_395 : vector<16xf32>
        %add3A_397 = arith.constant 0 : i32
        %add3A_398 = arith.addi %add3A_397, %scan3A_345 : i32
        %get3A_399 = arith.constant 0 : i32
        %get3A_400 = arith.index_cast %get3A_399 : i32 to index
        %get3A_401 = arith.index_cast %add3A_398 : i32 to index
        %get3A_402 = arith.constant 64 : index
        %get3A_403 = tpu.vector_load %arg6[%get3A_400, %get3A_401, %get3A_402] {strides = array<i32>} : memref<2x100x128xf32, #tpu.memory_space<vmem>>, vector<1x1x16xf32>,
        %get3A_404 = vector.shape_cast %get3A_403 : vector<1x1x16xf32> to vector<16xf32>
        %add3A_405 = arith.addf %scan3A_350, %get3A_404 : vector<16xf32>
        %add3A_406 = arith.constant 0 : i32
        %add3A_407 = arith.addi %add3A_406, %scan3A_345 : i32
        %get3A_408 = arith.constant 0 : i32
        %get3A_409 = arith.index_cast %get3A_408 : i32 to index
        %get3A_410 = arith.index_cast %add3A_407 : i32 to index
        %get3A_411 = arith.constant 80 : index
        %get3A_412 = tpu.vector_load %arg6[%get3A_409, %get3A_410, %get3A_411] {strides = array<i32>} : memref<2x100x128xf32, #tpu.memory_space<vmem>>, vector<1x1x16xf32>,
        %get3A_413 = vector.shape_cast %get3A_412 : vector<1x1x16xf32> to vector<16xf32>
        %add3A_414 = arith.addf %scan3A_351, %get3A_413 : vector<16xf32>
        %add3A_415 = arith.constant 0 : i32
        %add3A_416 = arith.addi %add3A_415, %scan3A_345 : i32
        %get3A_417 = arith.constant 0 : i32
        %get3A_418 = arith.index_cast %get3A_417 : i32 to index
        %get3A_419 = arith.index_cast %add3A_416 : i32 to index
        %get3A_420 = arith.constant 96 : index
        %get3A_421 = tpu.vector_load %arg6[%get3A_418, %get3A_419, %get3A_420] {strides = array<i32>} : memref<2x100x128xf32, #tpu.memory_space<vmem>>, vector<1x1x16xf32>,
        %get3A_422 = vector.shape_cast %get3A_421 : vector<1x1x16xf32> to vector<16xf32>
        %add3A_423 = arith.addf %scan3A_352, %get3A_422 : vector<16xf32>
        %add3A_424 = arith.constant 0 : i32
        %add3A_425 = arith.addi %add3A_424, %scan3A_345 : i32
        %get3A_426 = arith.constant 0 : i32
        %get3A_427 = arith.index_cast %get3A_426 : i32 to index
        %get3A_428 = arith.index_cast %add3A_425 : i32 to index
        %get3A_429 = arith.constant 112 : index
        %get3A_430 = tpu.vector_load %arg6[%get3A_427, %get3A_428, %get3A_429] {strides = array<i32>} : memref<2x100x128xf32, #tpu.memory_space<vmem>>, vector<1x1x16xf32>,
        %get3A_431 = vector.shape_cast %get3A_430 : vector<1x1x16xf32> to vector<16xf32>
        %add3A_432 = arith.addf %scan3A_353, %get3A_431 : vector<16xf32>
        %add3A_433 = arith.constant 50 : i32
        %add3A_434 = arith.addi %add3A_433, %scan3A_345 : i32
        %get3A_435 = arith.constant 0 : i32
        %get3A_436 = arith.index_cast %get3A_435 : i32 to index
        %get3A_437 = arith.index_cast %add3A_434 : i32 to index
        %get3A_438 = arith.constant 0 : index
        %get3A_439 = tpu.vector_load %arg6[%get3A_436, %get3A_437, %get3A_438] {strides = array<i32>} : memref<2x100x128xf32, #tpu.memory_space<vmem>>, vector<1x1x16xf32>,
        %get3A_440 = vector.shape_cast %get3A_439 : vector<1x1x16xf32> to vector<16xf32>
        %add3A_441 = arith.addf %scan3A_354, %get3A_440 : vector<16xf32>
        %add3A_442 = arith.constant 50 : i32
        %add3A_443 = arith.addi %add3A_442, %scan3A_345 : i32
        %get3A_444 = arith.constant 0 : i32
        %get3A_445 = arith.index_cast %get3A_444 : i32 to index
        %get3A_446 = arith.index_cast %add3A_443 : i32 to index
        %get3A_447 = arith.constant 16 : index
        %get3A_448 = tpu.vector_load %arg6[%get3A_445, %get3A_446, %get3A_447] {strides = array<i32>} : memref<2x100x128xf32, #tpu.memory_space<vmem>>, vector<1x1x16xf32>,
        %get3A_449 = vector.shape_cast %get3A_448 : vector<1x1x16xf32> to vector<16xf32>
        %add3A_450 = arith.addf %scan3A_355, %get3A_449 : vector<16xf32>
        %add3A_451 = arith.constant 50 : i32
        %add3A_452 = arith.addi %add3A_451, %scan3A_345 : i32
        %get3A_453 = arith.constant 0 : i32
        %get3A_454 = arith.index_cast %get3A_453 : i32 to index
        %get3A_455 = arith.index_cast %add3A_452 : i32 to index
        %get3A_456 = arith.constant 32 : index
        %get3A_457 = tpu.vector_load %arg6[%get3A_454, %get3A_455, %get3A_456] {strides = array<i32>} : memref<2x100x128xf32, #tpu.memory_space<vmem>>, vector<1x1x16xf32>,
        %get3A_458 = vector.shape_cast %get3A_457 : vector<1x1x16xf32> to vector<16xf32>
        %add3A_459 = arith.addf %scan3A_356, %get3A_458 : vector<16xf32>
        %add3A_460 = arith.constant 50 : i32
        %add3A_461 = arith.addi %add3A_460, %scan3A_345 : i32
        %get3A_462 = arith.constant 0 : i32
        %get3A_463 = arith.index_cast %get3A_462 : i32 to index
        %get3A_464 = arith.index_cast %add3A_461 : i32 to index
        %get3A_465 = arith.constant 48 : index
        %get3A_466 = tpu.vector_load %arg6[%get3A_463, %get3A_464, %get3A_465] {strides = array<i32>} : memref<2x100x128xf32, #tpu.memory_space<vmem>>, vector<1x1x16xf32>,
        %get3A_467 = vector.shape_cast %get3A_466 : vector<1x1x16xf32> to vector<16xf32>
        %add3A_468 = arith.addf %scan3A_357, %get3A_467 : vector<16xf32>
        %add3A_469 = arith.constant 50 : i32
        %add3A_470 = arith.addi %add3A_469, %scan3A_345 : i32
        %get3A_471 = arith.constant 0 : i32
        %get3A_472 = arith.index_cast %get3A_471 : i32 to index
        %get3A_473 = arith.index_cast %add3A_470 : i32 to index
        %get3A_474 = arith.constant 64 : index
        %get3A_475 = tpu.vector_load %arg6[%get3A_472, %get3A_473, %get3A_474] {strides = array<i32>} : memref<2x100x128xf32, #tpu.memory_space<vmem>>, vector<1x1x16xf32>,
        %get3A_476 = vector.shape_cast %get3A_475 : vector<1x1x16xf32> to vector<16xf32>
        %add3A_477 = arith.addf %scan3A_358, %get3A_476 : vector<16xf32>
        %add3A_478 = arith.constant 50 : i32
        %add3A_479 = arith.addi %add3A_478, %scan3A_345 : i32
        %get3A_480 = arith.constant 0 : i32
        %get3A_481 = arith.index_cast %get3A_480 : i32 to index
        %get3A_482 = arith.index_cast %add3A_479 : i32 to index
        %get3A_483 = arith.constant 80 : index
        %get3A_484 = tpu.vector_load %arg6[%get3A_481, %get3A_482, %get3A_483] {strides = array<i32>} : memref<2x100x128xf32, #tpu.memory_space<vmem>>, vector<1x1x16xf32>,
        %get3A_485 = vector.shape_cast %get3A_484 : vector<1x1x16xf32> to vector<16xf32>
        %add3A_486 = arith.addf %scan3A_359, %get3A_485 : vector<16xf32>
        %add3A_487 = arith.constant 50 : i32
        %add3A_488 = arith.addi %add3A_487, %scan3A_345 : i32
        %get3A_489 = arith.constant 0 : i32
        %get3A_490 = arith.index_cast %get3A_489 : i32 to index
        %get3A_491 = arith.index_cast %add3A_488 : i32 to index
        %get3A_492 = arith.constant 96 : index
        %get3A_493 = tpu.vector_load %arg6[%get3A_490, %get3A_491, %get3A_492] {strides = array<i32>} : memref<2x100x128xf32, #tpu.memory_space<vmem>>, vector<1x1x16xf32>,
        %get3A_494 = vector.shape_cast %get3A_493 : vector<1x1x16xf32> to vector<16xf32>
        %add3A_495 = arith.addf %scan3A_360, %get3A_494 : vector<16xf32>
        %add3A_496 = arith.constant 50 : i32
        %add3A_497 = arith.addi %add3A_496, %scan3A_345 : i32
        %get3A_498 = arith.constant 0 : i32
        %get3A_499 = arith.index_cast %get3A_498 : i32 to index
        %get3A_500 = arith.index_cast %add3A_497 : i32 to index
        %get3A_501 = arith.constant 112 : index
        %get3A_502 = tpu.vector_load %arg6[%get3A_499, %get3A_500, %get3A_501] {strides = array<i32>} : memref<2x100x128xf32, #tpu.memory_space<vmem>>, vector<1x1x16xf32>,
        %get3A_503 = vector.shape_cast %get3A_502 : vector<1x1x16xf32> to vector<16xf32>
        %add3A_504 = arith.addf %scan3A_361, %get3A_503 : vector<16xf32>
        scf.yield %add3A_369, %add3A_378, %add3A_387, %add3A_396, %add3A_405, %add3A_414, %add3A_423, %add3A_432, %add3A_441, %add3A_450, %add3A_459, %add3A_468, %add3A_477, %add3A_486, %add3A_495, %add3A_504 : vector<16xf32>, vector<16xf32>, vector<16xf32>, vector<16xf32>, vector<16xf32>, vector<16xf32>, vector<16xf32>, vector<16xf32>, vector<16xf32>, vector<16xf32>, vector<16xf32>, vector<16xf32>, vector<16xf32>, vector<16xf32>, vector<16xf32>, vector<16xf32>
      }
      %scan3A_101 = arith.constant 50 : i32
      %mul3A_102 = arith.constant 2 : i32
      %mul3A_103 = arith.muli %mul3A_37, %mul3A_102 : i32
      %add3A_104 = arith.constant 0 : i32
      %add3A_105 = arith.addi %mul3A_103, %add3A_104 : i32
      %swap3A = arith.index_cast %add3A_105 : i32 to index
      %swap3A_106 = arith.constant 0 : index
      %swap3A_107 = tpu.vector_load %arg7[%swap3A, %swap3A_106] {strides = array<i32>} : memref<128x128xf32, #tpu.memory_space<vmem>>, vector<1x16xf32>,
      %swap3A_108 = vector.shape_cast %swap3A_107 : vector<1x16xf32> to vector<16xf32>
      %swap3A_109 = vector.shape_cast %scan3A_100#0 : vector<16xf32> to vector<1x16xf32>
      tpu.vector_store %arg7[%swap3A, %swap3A_106], %swap3A_109 {strides = array<i32>} : memref<128x128xf32, #tpu.memory_space<vmem>>, vector<1x16xf32>,
      %swap3A_110 = arith.index_cast %add3A_105 : i32 to index
      %swap3A_111 = arith.constant 16 : index
      %swap3A_112 = tpu.vector_load %arg7[%swap3A_110, %swap3A_111] {strides = array<i32>} : memref<128x128xf32, #tpu.memory_space<vmem>>, vector<1x16xf32>,
      %swap3A_113 = vector.shape_cast %swap3A_112 : vector<1x16xf32> to vector<16xf32>
      %swap3A_114 = vector.shape_cast %scan3A_100#1 : vector<16xf32> to vector<1x16xf32>
      tpu.vector_store %arg7[%swap3A_110, %swap3A_111], %swap3A_114 {strides = array<i32>} : memref<128x128xf32, #tpu.memory_space<vmem>>, vector<1x16xf32>,
      %swap3A_115 = arith.index_cast %add3A_105 : i32 to index
      %swap3A_116 = arith.constant 32 : index
      %swap3A_117 = tpu.vector_load %arg7[%swap3A_115, %swap3A_116] {strides = array<i32>} : memref<128x128xf32, #tpu.memory_space<vmem>>, vector<1x16xf32>,
      %swap3A_118 = vector.shape_cast %swap3A_117 : vector<1x16xf32> to vector<16xf32>
      %swap3A_119 = vector.shape_cast %scan3A_100#2 : vector<16xf32> to vector<1x16xf32>
      tpu.vector_store %arg7[%swap3A_115, %swap3A_116], %swap3A_119 {strides = array<i32>} : memref<128x128xf32, #tpu.memory_space<vmem>>, vector<1x16xf32>,
      %swap3A_120 = arith.index_cast %add3A_105 : i32 to index
      %swap3A_121 = arith.constant 48 : index
      %swap3A_122 = tpu.vector_load %arg7[%swap3A_120, %swap3A_121] {strides = array<i32>} : memref<128x128xf32, #tpu.memory_space<vmem>>, vector<1x16xf32>,
      %swap3A_123 = vector.shape_cast %swap3A_122 : vector<1x16xf32> to vector<16xf32>
      %swap3A_124 = vector.shape_cast %scan3A_100#3 : vector<16xf32> to vector<1x16xf32>
      tpu.vector_store %arg7[%swap3A_120, %swap3A_121], %swap3A_124 {strides = array<i32>} : memref<128x128xf32, #tpu.memory_space<vmem>>, vector<1x16xf32>,
      %swap3A_125 = arith.index_cast %add3A_105 : i32 to index
      %swap3A_126 = arith.constant 64 : index
      %swap3A_127 = tpu.vector_load %arg7[%swap3A_125, %swap3A_126] {strides = array<i32>} : memref<128x128xf32, #tpu.memory_space<vmem>>, vector<1x16xf32>,
      %swap3A_128 = vector.shape_cast %swap3A_127 : vector<1x16xf32> to vector<16xf32>
      %swap3A_129 = vector.shape_cast %scan3A_100#4 : vector<16xf32> to vector<1x16xf32>
      tpu.vector_store %arg7[%swap3A_125, %swap3A_126], %swap3A_129 {strides = array<i32>} : memref<128x128xf32, #tpu.memory_space<vmem>>, vector<1x16xf32>,
      %swap3A_130 = arith.index_cast %add3A_105 : i32 to index
      %swap3A_131 = arith.constant 80 : index
      %swap3A_132 = tpu.vector_load %arg7[%swap3A_130, %swap3A_131] {strides = array<i32>} : memref<128x128xf32, #tpu.memory_space<vmem>>, vector<1x16xf32>,
      %swap3A_133 = vector.shape_cast %swap3A_132 : vector<1x16xf32> to vector<16xf32>
      %swap3A_134 = vector.shape_cast %scan3A_100#5 : vector<16xf32> to vector<1x16xf32>
      tpu.vector_store %arg7[%swap3A_130, %swap3A_131], %swap3A_134 {strides = array<i32>} : memref<128x128xf32, #tpu.memory_space<vmem>>, vector<1x16xf32>,
      %swap3A_135 = arith.index_cast %add3A_105 : i32 to index
      %swap3A_136 = arith.constant 96 : index
      %swap3A_137 = tpu.vector_load %arg7[%swap3A_135, %swap3A_136] {strides = array<i32>} : memref<128x128xf32, #tpu.memory_space<vmem>>, vector<1x16xf32>,
      %swap3A_138 = vector.shape_cast %swap3A_137 : vector<1x16xf32> to vector<16xf32>
      %swap3A_139 = vector.shape_cast %scan3A_100#6 : vector<16xf32> to vector<1x16xf32>
      tpu.vector_store %arg7[%swap3A_135, %swap3A_136], %swap3A_139 {strides = array<i32>} : memref<128x128xf32, #tpu.memory_space<vmem>>, vector<1x16xf32>,
      %swap3A_140 = arith.index_cast %add3A_105 : i32 to index
      %swap3A_141 = arith.constant 112 : index
      %swap3A_142 = tpu.vector_load %arg7[%swap3A_140, %swap3A_141] {strides = array<i32>} : memref<128x128xf32, #tpu.memory_space<vmem>>, vector<1x16xf32>,
      %swap3A_143 = vector.shape_cast %swap3A_142 : vector<1x16xf32> to vector<16xf32>
      %swap3A_144 = vector.shape_cast %scan3A_100#7 : vector<16xf32> to vector<1x16xf32>
      tpu.vector_store %arg7[%swap3A_140, %swap3A_141], %swap3A_144 {strides = array<i32>} : memref<128x128xf32, #tpu.memory_space<vmem>>, vector<1x16xf32>,
      %mul3A_145 = arith.constant 2 : i32
      %mul3A_146 = arith.muli %mul3A_37, %mul3A_145 : i32
      %add3A_147 = arith.constant 1 : i32
      %add3A_148 = arith.addi %mul3A_146, %add3A_147 : i32
      %swap3A_149 = arith.index_cast %add3A_148 : i32 to index
      %swap3A_150 = arith.constant 0 : index
      %swap3A_151 = tpu.vector_load %arg7[%swap3A_149, %swap3A_150] {strides = array<i32>} : memref<128x128xf32, #tpu.memory_space<vmem>>, vector<1x16xf32>,
      %swap3A_152 = vector.shape_cast %swap3A_151 : vector<1x16xf32> to vector<16xf32>
      %swap3A_153 = vector.shape_cast %scan3A_100#8 : vector<16xf32> to vector<1x16xf32>
      tpu.vector_store %arg7[%swap3A_149, %swap3A_150], %swap3A_153 {strides = array<i32>} : memref<128x128xf32, #tpu.memory_space<vmem>>, vector<1x16xf32>,
      %swap3A_154 = arith.index_cast %add3A_148 : i32 to index
      %swap3A_155 = arith.constant 16 : index
      %swap3A_156 = tpu.vector_load %arg7[%swap3A_154, %swap3A_155] {strides = array<i32>} : memref<128x128xf32, #tpu.memory_space<vmem>>, vector<1x16xf32>,
      %swap3A_157 = vector.shape_cast %swap3A_156 : vector<1x16xf32> to vector<16xf32>
      %swap3A_158 = vector.shape_cast %scan3A_100#9 : vector<16xf32> to vector<1x16xf32>
      tpu.vector_store %arg7[%swap3A_154, %swap3A_155], %swap3A_158 {strides = array<i32>} : memref<128x128xf32, #tpu.memory_space<vmem>>, vector<1x16xf32>,
      %swap3A_159 = arith.index_cast %add3A_148 : i32 to index
      %swap3A_160 = arith.constant 32 : index
      %swap3A_161 = tpu.vector_load %arg7[%swap3A_159, %swap3A_160] {strides = array<i32>} : memref<128x128xf32, #tpu.memory_space<vmem>>, vector<1x16xf32>,
      %swap3A_162 = vector.shape_cast %swap3A_161 : vector<1x16xf32> to vector<16xf32>
      %swap3A_163 = vector.shape_cast %scan3A_100#10 : vector<16xf32> to vector<1x16xf32>
      tpu.vector_store %arg7[%swap3A_159, %swap3A_160], %swap3A_163 {strides = array<i32>} : memref<128x128xf32, #tpu.memory_space<vmem>>, vector<1x16xf32>,
      %swap3A_164 = arith.index_cast %add3A_148 : i32 to index
      %swap3A_165 = arith.constant 48 : index
      %swap3A_166 = tpu.vector_load %arg7[%swap3A_164, %swap3A_165] {strides = array<i32>} : memref<128x128xf32, #tpu.memory_space<vmem>>, vector<1x16xf32>,
      %swap3A_167 = vector.shape_cast %swap3A_166 : vector<1x16xf32> to vector<16xf32>
      %swap3A_168 = vector.shape_cast %scan3A_100#11 : vector<16xf32> to vector<1x16xf32>
      tpu.vector_store %arg7[%swap3A_164, %swap3A_165], %swap3A_168 {strides = array<i32>} : memref<128x128xf32, #tpu.memory_space<vmem>>, vector<1x16xf32>,
      %swap3A_169 = arith.index_cast %add3A_148 : i32 to index
      %swap3A_170 = arith.constant 64 : index
      %swap3A_171 = tpu.vector_load %arg7[%swap3A_169, %swap3A_170] {strides = array<i32>} : memref<128x128xf32, #tpu.memory_space<vmem>>, vector<1x16xf32>,
      %swap3A_172 = vector.shape_cast %swap3A_171 : vector<1x16xf32> to vector<16xf32>
      %swap3A_173 = vector.shape_cast %scan3A_100#12 : vector<16xf32> to vector<1x16xf32>
      tpu.vector_store %arg7[%swap3A_169, %swap3A_170], %swap3A_173 {strides = array<i32>} : memref<128x128xf32, #tpu.memory_space<vmem>>, vector<1x16xf32>,
      %swap3A_174 = arith.index_cast %add3A_148 : i32 to index
      %swap3A_175 = arith.constant 80 : index
      %swap3A_176 = tpu.vector_load %arg7[%swap3A_174, %swap3A_175] {strides = array<i32>} : memref<128x128xf32, #tpu.memory_space<vmem>>, vector<1x16xf32>,
      %swap3A_177 = vector.shape_cast %swap3A_176 : vector<1x16xf32> to vector<16xf32>
      %swap3A_178 = vector.shape_cast %scan3A_100#13 : vector<16xf32> to vector<1x16xf32>
      tpu.vector_store %arg7[%swap3A_174, %swap3A_175], %swap3A_178 {strides = array<i32>} : memref<128x128xf32, #tpu.memory_space<vmem>>, vector<1x16xf32>,
      %swap3A_179 = arith.index_cast %add3A_148 : i32 to index
      %swap3A_180 = arith.constant 96 : index
      %swap3A_181 = tpu.vector_load %arg7[%swap3A_179, %swap3A_180] {strides = array<i32>} : memref<128x128xf32, #tpu.memory_space<vmem>>, vector<1x16xf32>,
      %swap3A_182 = vector.shape_cast %swap3A_181 : vector<1x16xf32> to vector<16xf32>
      %swap3A_183 = vector.shape_cast %scan3A_100#14 : vector<16xf32> to vector<1x16xf32>
      tpu.vector_store %arg7[%swap3A_179, %swap3A_180], %swap3A_183 {strides = array<i32>} : memref<128x128xf32, #tpu.memory_space<vmem>>, vector<1x16xf32>,
      %swap3A_184 = arith.index_cast %add3A_148 : i32 to index
      %swap3A_185 = arith.constant 112 : index
      %swap3A_186 = tpu.vector_load %arg7[%swap3A_184, %swap3A_185] {strides = array<i32>} : memref<128x128xf32, #tpu.memory_space<vmem>>, vector<1x16xf32>,
      %swap3A_187 = vector.shape_cast %swap3A_186 : vector<1x16xf32> to vector<16xf32>
      %swap3A_188 = vector.shape_cast %scan3A_100#15 : vector<16xf32> to vector<1x16xf32>
      tpu.vector_store %arg7[%swap3A_184, %swap3A_185], %swap3A_188 {strides = array<i32>} : memref<128x128xf32, #tpu.memory_space<vmem>>, vector<1x16xf32>,
      %add3A_189 = arith.constant 2 : i32
      %add3A_190 = arith.addi %mul3A_37, %add3A_189 : i32
      %min3A_191 = arith.constant 63 : i32
      %min3A_192 = arith.minsi %add3A_190, %min3A_191 : i32
      %dma_start3A_193 = arith.constant 0 : i32
      %dma_start3A_194 = arith.constant 0 : i32
      %dma_start3A_195 = arith.constant 0 : i32
      %dma_start3A_196 = tpu.memref_slice %arg6[%dma_start3A_193, %dma_start3A_194, %dma_start3A_195] : memref<2x100x128xf32, #tpu.memory_space<vmem>> -> memref<1x100x128xf32, #tpu.memory_space<vmem>>
      %dma_start3A_197 = tpu.memref_squeeze %dma_start3A_196 : memref<1x100x128xf32, #tpu.memory_space<vmem>> -> memref<100x128xf32, #tpu.memory_space<vmem>>
      %dma_start3A_198 = arith.constant 0 : i32
      %dma_start3A_199 = tpu.memref_slice %arg5[%min3A_192, %dma_start3A_198] : memref<64x100xi32, #tpu.memory_space<vmem>> -> memref<1x100xi32, #tpu.memory_space<vmem>>
      %dma_start3A_200 = tpu.memref_squeeze %dma_start3A_199 : memref<1x100xi32, #tpu.memory_space<vmem>> -> memref<100xi32, #tpu.memory_space<vmem>>
      %dma_start3A_201 = arith.constant 0 : i32
      %dma_start3A_202 = arith.constant 0 : i32
      %dma_start3A_203 = tpu.memref_slice %arg3[%dma_start3A_201, %dma_start3A_202] : memref<100000x128xf32, #tpu.memory_space<hbm>> -> memref<100000x128xf32, #tpu.memory_space<hbm>>
      tpu.enqueue_indirect_dma source(%dma_start3A_203 : memref<100000x128xf32, #tpu.memory_space<hbm>>) target(%dma_start3A_197 : memref<100x128xf32, #tpu.memory_space<vmem>>) offsets(%dma_start3A_200 : memref<100xi32, #tpu.memory_space<vmem>>) semaphore(%arg8 : memref<!tpu.dma_semaphore, #tpu.memory_space<semaphore_mem>>)
      %dma_wait3A_204 = arith.constant 0 : i32
      %dma_wait3A_205 = arith.constant 1 : i32
      %dma_wait3A_206 = arith.constant 0 : i32
      %dma_wait3A_207 = arith.constant 0 : i32
      %dma_wait3A_208 = tpu.memref_slice %arg6[%dma_wait3A_205, %dma_wait3A_206, %dma_wait3A_207] : memref<2x100x128xf32, #tpu.memory_space<vmem>> -> memref<1x100x128xf32, #tpu.memory_space<vmem>>
      %dma_wait3A_209 = tpu.memref_squeeze %dma_wait3A_208 : memref<1x100x128xf32, #tpu.memory_space<vmem>> -> memref<100x128xf32, #tpu.memory_space<vmem>>
      %dma_wait3A_210 = arith.constant 0 : i32
      %dma_wait3A_211 = tpu.memref_slice %arg5[%dma_wait3A_204, %dma_wait3A_210] : memref<64x100xi32, #tpu.memory_space<vmem>> -> memref<1x100xi32, #tpu.memory_space<vmem>>
      %dma_wait3A_212 = tpu.memref_squeeze %dma_wait3A_211 : memref<1x100xi32, #tpu.memory_space<vmem>> -> memref<100xi32, #tpu.memory_space<vmem>>
      %dma_wait3A_213 = arith.constant 0 : i32
      %dma_wait3A_214 = arith.constant 0 : i32
      %dma_wait3A_215 = tpu.memref_slice %arg3[%dma_wait3A_213, %dma_wait3A_214] : memref<100000x128xf32, #tpu.memory_space<hbm>> -> memref<100000x128xf32, #tpu.memory_space<hbm>>
      tpu.wait_indirect_dma semaphore(%arg9 : memref<!tpu.dma_semaphore, #tpu.memory_space<semaphore_mem>>) src(%dma_wait3A_215 : memref<100000x128xf32, #tpu.memory_space<hbm>>) dst(%dma_wait3A_209 : memref<100x128xf32, #tpu.memory_space<vmem>>)
      %add3A_216 = arith.constant 1 : i32
      %add3A_217 = arith.addi %mul3A_37, %add3A_216 : i32
      %broadcast_in_dim3A_218 = arith.constant 0.000000e+00 : f32
      %broadcast_in_dim3A_219 = vector.broadcast %broadcast_in_dim3A_218 : f32 to vector<16xf32>
      %broadcast_in_dim3A_220 = arith.constant 0.000000e+00 : f32
      %broadcast_in_dim3A_221 = vector.broadcast %broadcast_in_dim3A_220 : f32 to vector<16xf32>
      %broadcast_in_dim3A_222 = arith.constant 0.000000e+00 : f32
      %broadcast_in_dim3A_223 = vector.broadcast %broadcast_in_dim3A_222 : f32 to vector<16xf32>
      %broadcast_in_dim3A_224 = arith.constant 0.000000e+00 : f32
      %broadcast_in_dim3A_225 = vector.broadcast %broadcast_in_dim3A_224 : f32 to vector<16xf32>
      %broadcast_in_dim3A_226 = arith.constant 0.000000e+00 : f32
      %broadcast_in_dim3A_227 = vector.broadcast %broadcast_in_dim3A_226 : f32 to vector<16xf32>
      %broadcast_in_dim3A_228 = arith.constant 0.000000e+00 : f32
      %broadcast_in_dim3A_229 = vector.broadcast %broadcast_in_dim3A_228 : f32 to vector<16xf32>
      %broadcast_in_dim3A_230 = arith.constant 0.000000e+00 : f32
      %broadcast_in_dim3A_231 = vector.broadcast %broadcast_in_dim3A_230 : f32 to vector<16xf32>
      %broadcast_in_dim3A_232 = arith.constant 0.000000e+00 : f32
      %broadcast_in_dim3A_233 = vector.broadcast %broadcast_in_dim3A_232 : f32 to vector<16xf32>
      %broadcast_in_dim3A_234 = arith.constant 0.000000e+00 : f32
      %broadcast_in_dim3A_235 = vector.broadcast %broadcast_in_dim3A_234 : f32 to vector<16xf32>
      %broadcast_in_dim3A_236 = arith.constant 0.000000e+00 : f32
      %broadcast_in_dim3A_237 = vector.broadcast %broadcast_in_dim3A_236 : f32 to vector<16xf32>
      %broadcast_in_dim3A_238 = arith.constant 0.000000e+00 : f32
      %broadcast_in_dim3A_239 = vector.broadcast %broadcast_in_dim3A_238 : f32 to vector<16xf32>
      %broadcast_in_dim3A_240 = arith.constant 0.000000e+00 : f32
      %broadcast_in_dim3A_241 = vector.broadcast %broadcast_in_dim3A_240 : f32 to vector<16xf32>
      %broadcast_in_dim3A_242 = arith.constant 0.000000e+00 : f32
      %broadcast_in_dim3A_243 = vector.broadcast %broadcast_in_dim3A_242 : f32 to vector<16xf32>
      %broadcast_in_dim3A_244 = arith.constant 0.000000e+00 : f32
      %broadcast_in_dim3A_245 = vector.broadcast %broadcast_in_dim3A_244 : f32 to vector<16xf32>
      %broadcast_in_dim3A_246 = arith.constant 0.000000e+00 : f32
      %broadcast_in_dim3A_247 = vector.broadcast %broadcast_in_dim3A_246 : f32 to vector<16xf32>
      %broadcast_in_dim3A_248 = arith.constant 0.000000e+00 : f32
      %broadcast_in_dim3A_249 = vector.broadcast %broadcast_in_dim3A_248 : f32 to vector<16xf32>
      %scan3A_250 = arith.constant 0 : i32
      %scan3A_251 = arith.constant 50 : i32
      %scan3A_252 = arith.addi %scan3A_250, %scan3A_251 : i32
      %scan3A_253 = arith.constant 1 : i32
      %scan3A_254:16 = scf.for %scan3A_345 = %scan3A_250 to %scan3A_252 step %scan3A_253 iter_args(%scan3A_346 = %broadcast_in_dim3A_219, %scan3A_347 = %broadcast_in_dim3A_221, %scan3A_348 = %broadcast_in_dim3A_223, %scan3A_349 = %broadcast_in_dim3A_225, %scan3A_350 = %broadcast_in_dim3A_227, %scan3A_351 = %broadcast_in_dim3A_229, %scan3A_352 = %broadcast_in_dim3A_231, %scan3A_353 = %broadcast_in_dim3A_233, %scan3A_354 = %broadcast_in_dim3A_235, %scan3A_355 = %broadcast_in_dim3A_237, %scan3A_356 = %broadcast_in_dim3A_239, %scan3A_357 = %broadcast_in_dim3A_241, %scan3A_358 = %broadcast_in_dim3A_243, %scan3A_359 = %broadcast_in_dim3A_245, %scan3A_360 = %broadcast_in_dim3A_247, %scan3A_361 = %broadcast_in_dim3A_249) -> (vector<16xf32>, vector<16xf32>, vector<16xf32>, vector<16xf32>, vector<16xf32>, vector<16xf32>, vector<16xf32>, vector<16xf32>, vector<16xf32>, vector<16xf32>, vector<16xf32>, vector<16xf32>, vector<16xf32>, vector<16xf32>, vector<16xf32>, vector<16xf32>)  : i32 {
        %add3A_362 = arith.constant 0 : i32
        %add3A_363 = arith.addi %add3A_362, %scan3A_345 : i32
        %get3A = arith.constant 1 : i32
        %get3A_364 = arith.index_cast %get3A : i32 to index
        %get3A_365 = arith.index_cast %add3A_363 : i32 to index
        %get3A_366 = arith.constant 0 : index
        %get3A_367 = tpu.vector_load %arg6[%get3A_364, %get3A_365, %get3A_366] {strides = array<i32>} : memref<2x100x128xf32, #tpu.memory_space<vmem>>, vector<1x1x16xf32>,
        %get3A_368 = vector.shape_cast %get3A_367 : vector<1x1x16xf32> to vector<16xf32>
        %add3A_369 = arith.addf %scan3A_346, %get3A_368 : vector<16xf32>
        %add3A_370 = arith.constant 0 : i32
        %add3A_371 = arith.addi %add3A_370, %scan3A_345 : i32
        %get3A_372 = arith.constant 1 : i32
        %get3A_373 = arith.index_cast %get3A_372 : i32 to index
        %get3A_374 = arith.index_cast %add3A_371 : i32 to index
        %get3A_375 = arith.constant 16 : index
        %get3A_376 = tpu.vector_load %arg6[%get3A_373, %get3A_374, %get3A_375] {strides = array<i32>} : memref<2x100x128xf32, #tpu.memory_space<vmem>>, vector<1x1x16xf32>,
        %get3A_377 = vector.shape_cast %get3A_376 : vector<1x1x16xf32> to vector<16xf32>
        %add3A_378 = arith.addf %scan3A_347, %get3A_377 : vector<16xf32>
        %add3A_379 = arith.constant 0 : i32
        %add3A_380 = arith.addi %add3A_379, %scan3A_345 : i32
        %get3A_381 = arith.constant 1 : i32
        %get3A_382 = arith.index_cast %get3A_381 : i32 to index
        %get3A_383 = arith.index_cast %add3A_380 : i32 to index
        %get3A_384 = arith.constant 32 : index
        %get3A_385 = tpu.vector_load %arg6[%get3A_382, %get3A_383, %get3A_384] {strides = array<i32>} : memref<2x100x128xf32, #tpu.memory_space<vmem>>, vector<1x1x16xf32>,
        %get3A_386 = vector.shape_cast %get3A_385 : vector<1x1x16xf32> to vector<16xf32>
        %add3A_387 = arith.addf %scan3A_348, %get3A_386 : vector<16xf32>
        %add3A_388 = arith.constant 0 : i32
        %add3A_389 = arith.addi %add3A_388, %scan3A_345 : i32
        %get3A_390 = arith.constant 1 : i32
        %get3A_391 = arith.index_cast %get3A_390 : i32 to index
        %get3A_392 = arith.index_cast %add3A_389 : i32 to index
        %get3A_393 = arith.constant 48 : index
        %get3A_394 = tpu.vector_load %arg6[%get3A_391, %get3A_392, %get3A_393] {strides = array<i32>} : memref<2x100x128xf32, #tpu.memory_space<vmem>>, vector<1x1x16xf32>,
        %get3A_395 = vector.shape_cast %get3A_394 : vector<1x1x16xf32> to vector<16xf32>
        %add3A_396 = arith.addf %scan3A_349, %get3A_395 : vector<16xf32>
        %add3A_397 = arith.constant 0 : i32
        %add3A_398 = arith.addi %add3A_397, %scan3A_345 : i32
        %get3A_399 = arith.constant 1 : i32
        %get3A_400 = arith.index_cast %get3A_399 : i32 to index
        %get3A_401 = arith.index_cast %add3A_398 : i32 to index
        %get3A_402 = arith.constant 64 : index
        %get3A_403 = tpu.vector_load %arg6[%get3A_400, %get3A_401, %get3A_402] {strides = array<i32>} : memref<2x100x128xf32, #tpu.memory_space<vmem>>, vector<1x1x16xf32>,
        %get3A_404 = vector.shape_cast %get3A_403 : vector<1x1x16xf32> to vector<16xf32>
        %add3A_405 = arith.addf %scan3A_350, %get3A_404 : vector<16xf32>
        %add3A_406 = arith.constant 0 : i32
        %add3A_407 = arith.addi %add3A_406, %scan3A_345 : i32
        %get3A_408 = arith.constant 1 : i32
        %get3A_409 = arith.index_cast %get3A_408 : i32 to index
        %get3A_410 = arith.index_cast %add3A_407 : i32 to index
        %get3A_411 = arith.constant 80 : index
        %get3A_412 = tpu.vector_load %arg6[%get3A_409, %get3A_410, %get3A_411] {strides = array<i32>} : memref<2x100x128xf32, #tpu.memory_space<vmem>>, vector<1x1x16xf32>,
        %get3A_413 = vector.shape_cast %get3A_412 : vector<1x1x16xf32> to vector<16xf32>
        %add3A_414 = arith.addf %scan3A_351, %get3A_413 : vector<16xf32>
        %add3A_415 = arith.constant 0 : i32
        %add3A_416 = arith.addi %add3A_415, %scan3A_345 : i32
        %get3A_417 = arith.constant 1 : i32
        %get3A_418 = arith.index_cast %get3A_417 : i32 to index
        %get3A_419 = arith.index_cast %add3A_416 : i32 to index
        %get3A_420 = arith.constant 96 : index
        %get3A_421 = tpu.vector_load %arg6[%get3A_418, %get3A_419, %get3A_420] {strides = array<i32>} : memref<2x100x128xf32, #tpu.memory_space<vmem>>, vector<1x1x16xf32>,
        %get3A_422 = vector.shape_cast %get3A_421 : vector<1x1x16xf32> to vector<16xf32>
        %add3A_423 = arith.addf %scan3A_352, %get3A_422 : vector<16xf32>
        %add3A_424 = arith.constant 0 : i32
        %add3A_425 = arith.addi %add3A_424, %scan3A_345 : i32
        %get3A_426 = arith.constant 1 : i32
        %get3A_427 = arith.index_cast %get3A_426 : i32 to index
        %get3A_428 = arith.index_cast %add3A_425 : i32 to index
        %get3A_429 = arith.constant 112 : index
        %get3A_430 = tpu.vector_load %arg6[%get3A_427, %get3A_428, %get3A_429] {strides = array<i32>} : memref<2x100x128xf32, #tpu.memory_space<vmem>>, vector<1x1x16xf32>,
        %get3A_431 = vector.shape_cast %get3A_430 : vector<1x1x16xf32> to vector<16xf32>
        %add3A_432 = arith.addf %scan3A_353, %get3A_431 : vector<16xf32>
        %add3A_433 = arith.constant 50 : i32
        %add3A_434 = arith.addi %add3A_433, %scan3A_345 : i32
        %get3A_435 = arith.constant 1 : i32
        %get3A_436 = arith.index_cast %get3A_435 : i32 to index
        %get3A_437 = arith.index_cast %add3A_434 : i32 to index
        %get3A_438 = arith.constant 0 : index
        %get3A_439 = tpu.vector_load %arg6[%get3A_436, %get3A_437, %get3A_438] {strides = array<i32>} : memref<2x100x128xf32, #tpu.memory_space<vmem>>, vector<1x1x16xf32>,
        %get3A_440 = vector.shape_cast %get3A_439 : vector<1x1x16xf32> to vector<16xf32>
        %add3A_441 = arith.addf %scan3A_354, %get3A_440 : vector<16xf32>
        %add3A_442 = arith.constant 50 : i32
        %add3A_443 = arith.addi %add3A_442, %scan3A_345 : i32
        %get3A_444 = arith.constant 1 : i32
        %get3A_445 = arith.index_cast %get3A_444 : i32 to index
        %get3A_446 = arith.index_cast %add3A_443 : i32 to index
        %get3A_447 = arith.constant 16 : index
        %get3A_448 = tpu.vector_load %arg6[%get3A_445, %get3A_446, %get3A_447] {strides = array<i32>} : memref<2x100x128xf32, #tpu.memory_space<vmem>>, vector<1x1x16xf32>,
        %get3A_449 = vector.shape_cast %get3A_448 : vector<1x1x16xf32> to vector<16xf32>
        %add3A_450 = arith.addf %scan3A_355, %get3A_449 : vector<16xf32>
        %add3A_451 = arith.constant 50 : i32
        %add3A_452 = arith.addi %add3A_451, %scan3A_345 : i32
        %get3A_453 = arith.constant 1 : i32
        %get3A_454 = arith.index_cast %get3A_453 : i32 to index
        %get3A_455 = arith.index_cast %add3A_452 : i32 to index
        %get3A_456 = arith.constant 32 : index
        %get3A_457 = tpu.vector_load %arg6[%get3A_454, %get3A_455, %get3A_456] {strides = array<i32>} : memref<2x100x128xf32, #tpu.memory_space<vmem>>, vector<1x1x16xf32>,
        %get3A_458 = vector.shape_cast %get3A_457 : vector<1x1x16xf32> to vector<16xf32>
        %add3A_459 = arith.addf %scan3A_356, %get3A_458 : vector<16xf32>
        %add3A_460 = arith.constant 50 : i32
        %add3A_461 = arith.addi %add3A_460, %scan3A_345 : i32
        %get3A_462 = arith.constant 1 : i32
        %get3A_463 = arith.index_cast %get3A_462 : i32 to index
        %get3A_464 = arith.index_cast %add3A_461 : i32 to index
        %get3A_465 = arith.constant 48 : index
        %get3A_466 = tpu.vector_load %arg6[%get3A_463, %get3A_464, %get3A_465] {strides = array<i32>} : memref<2x100x128xf32, #tpu.memory_space<vmem>>, vector<1x1x16xf32>,
        %get3A_467 = vector.shape_cast %get3A_466 : vector<1x1x16xf32> to vector<16xf32>
        %add3A_468 = arith.addf %scan3A_357, %get3A_467 : vector<16xf32>
        %add3A_469 = arith.constant 50 : i32
        %add3A_470 = arith.addi %add3A_469, %scan3A_345 : i32
        %get3A_471 = arith.constant 1 : i32
        %get3A_472 = arith.index_cast %get3A_471 : i32 to index
        %get3A_473 = arith.index_cast %add3A_470 : i32 to index
        %get3A_474 = arith.constant 64 : index
        %get3A_475 = tpu.vector_load %arg6[%get3A_472, %get3A_473, %get3A_474] {strides = array<i32>} : memref<2x100x128xf32, #tpu.memory_space<vmem>>, vector<1x1x16xf32>,
        %get3A_476 = vector.shape_cast %get3A_475 : vector<1x1x16xf32> to vector<16xf32>
        %add3A_477 = arith.addf %scan3A_358, %get3A_476 : vector<16xf32>
        %add3A_478 = arith.constant 50 : i32
        %add3A_479 = arith.addi %add3A_478, %scan3A_345 : i32
        %get3A_480 = arith.constant 1 : i32
        %get3A_481 = arith.index_cast %get3A_480 : i32 to index
        %get3A_482 = arith.index_cast %add3A_479 : i32 to index
        %get3A_483 = arith.constant 80 : index
        %get3A_484 = tpu.vector_load %arg6[%get3A_481, %get3A_482, %get3A_483] {strides = array<i32>} : memref<2x100x128xf32, #tpu.memory_space<vmem>>, vector<1x1x16xf32>,
        %get3A_485 = vector.shape_cast %get3A_484 : vector<1x1x16xf32> to vector<16xf32>
        %add3A_486 = arith.addf %scan3A_359, %get3A_485 : vector<16xf32>
        %add3A_487 = arith.constant 50 : i32
        %add3A_488 = arith.addi %add3A_487, %scan3A_345 : i32
        %get3A_489 = arith.constant 1 : i32
        %get3A_490 = arith.index_cast %get3A_489 : i32 to index
        %get3A_491 = arith.index_cast %add3A_488 : i32 to index
        %get3A_492 = arith.constant 96 : index
        %get3A_493 = tpu.vector_load %arg6[%get3A_490, %get3A_491, %get3A_492] {strides = array<i32>} : memref<2x100x128xf32, #tpu.memory_space<vmem>>, vector<1x1x16xf32>,
        %get3A_494 = vector.shape_cast %get3A_493 : vector<1x1x16xf32> to vector<16xf32>
        %add3A_495 = arith.addf %scan3A_360, %get3A_494 : vector<16xf32>
        %add3A_496 = arith.constant 50 : i32
        %add3A_497 = arith.addi %add3A_496, %scan3A_345 : i32
        %get3A_498 = arith.constant 1 : i32
        %get3A_499 = arith.index_cast %get3A_498 : i32 to index
        %get3A_500 = arith.index_cast %add3A_497 : i32 to index
        %get3A_501 = arith.constant 112 : index
        %get3A_502 = tpu.vector_load %arg6[%get3A_499, %get3A_500, %get3A_501] {strides = array<i32>} : memref<2x100x128xf32, #tpu.memory_space<vmem>>, vector<1x1x16xf32>,
        %get3A_503 = vector.shape_cast %get3A_502 : vector<1x1x16xf32> to vector<16xf32>
        %add3A_504 = arith.addf %scan3A_361, %get3A_503 : vector<16xf32>
        scf.yield %add3A_369, %add3A_378, %add3A_387, %add3A_396, %add3A_405, %add3A_414, %add3A_423, %add3A_432, %add3A_441, %add3A_450, %add3A_459, %add3A_468, %add3A_477, %add3A_486, %add3A_495, %add3A_504 : vector<16xf32>, vector<16xf32>, vector<16xf32>, vector<16xf32>, vector<16xf32>, vector<16xf32>, vector<16xf32>, vector<16xf32>, vector<16xf32>, vector<16xf32>, vector<16xf32>, vector<16xf32>, vector<16xf32>, vector<16xf32>, vector<16xf32>, vector<16xf32>
      }
      %scan3A_255 = arith.constant 50 : i32
      %mul3A_256 = arith.constant 2 : i32
      %mul3A_257 = arith.muli %add3A_217, %mul3A_256 : i32
      %add3A_258 = arith.constant 0 : i32
      %add3A_259 = arith.addi %mul3A_257, %add3A_258 : i32
      %swap3A_260 = arith.index_cast %add3A_259 : i32 to index
      %swap3A_261 = arith.constant 0 : index
      %swap3A_262 = tpu.vector_load %arg7[%swap3A_260, %swap3A_261] {strides = array<i32>} : memref<128x128xf32, #tpu.memory_space<vmem>>, vector<1x16xf32>,
      %swap3A_263 = vector.shape_cast %swap3A_262 : vector<1x16xf32> to vector<16xf32>
      %swap3A_264 = vector.shape_cast %scan3A_254#0 : vector<16xf32> to vector<1x16xf32>
      tpu.vector_store %arg7[%swap3A_260, %swap3A_261], %swap3A_264 {strides = array<i32>} : memref<128x128xf32, #tpu.memory_space<vmem>>, vector<1x16xf32>,
      %swap3A_265 = arith.index_cast %add3A_259 : i32 to index
      %swap3A_266 = arith.constant 16 : index
      %swap3A_267 = tpu.vector_load %arg7[%swap3A_265, %swap3A_266] {strides = array<i32>} : memref<128x128xf32, #tpu.memory_space<vmem>>, vector<1x16xf32>,
      %swap3A_268 = vector.shape_cast %swap3A_267 : vector<1x16xf32> to vector<16xf32>
      %swap3A_269 = vector.shape_cast %scan3A_254#1 : vector<16xf32> to vector<1x16xf32>
      tpu.vector_store %arg7[%swap3A_265, %swap3A_266], %swap3A_269 {strides = array<i32>} : memref<128x128xf32, #tpu.memory_space<vmem>>, vector<1x16xf32>,
      %swap3A_270 = arith.index_cast %add3A_259 : i32 to index
      %swap3A_271 = arith.constant 32 : index
      %swap3A_272 = tpu.vector_load %arg7[%swap3A_270, %swap3A_271] {strides = array<i32>} : memref<128x128xf32, #tpu.memory_space<vmem>>, vector<1x16xf32>,
      %swap3A_273 = vector.shape_cast %swap3A_272 : vector<1x16xf32> to vector<16xf32>
      %swap3A_274 = vector.shape_cast %scan3A_254#2 : vector<16xf32> to vector<1x16xf32>
      tpu.vector_store %arg7[%swap3A_270, %swap3A_271], %swap3A_274 {strides = array<i32>} : memref<128x128xf32, #tpu.memory_space<vmem>>, vector<1x16xf32>,
      %swap3A_275 = arith.index_cast %add3A_259 : i32 to index
      %swap3A_276 = arith.constant 48 : index
      %swap3A_277 = tpu.vector_load %arg7[%swap3A_275, %swap3A_276] {strides = array<i32>} : memref<128x128xf32, #tpu.memory_space<vmem>>, vector<1x16xf32>,
      %swap3A_278 = vector.shape_cast %swap3A_277 : vector<1x16xf32> to vector<16xf32>
      %swap3A_279 = vector.shape_cast %scan3A_254#3 : vector<16xf32> to vector<1x16xf32>
      tpu.vector_store %arg7[%swap3A_275, %swap3A_276], %swap3A_279 {strides = array<i32>} : memref<128x128xf32, #tpu.memory_space<vmem>>, vector<1x16xf32>,
      %swap3A_280 = arith.index_cast %add3A_259 : i32 to index
      %swap3A_281 = arith.constant 64 : index
      %swap3A_282 = tpu.vector_load %arg7[%swap3A_280, %swap3A_281] {strides = array<i32>} : memref<128x128xf32, #tpu.memory_space<vmem>>, vector<1x16xf32>,
      %swap3A_283 = vector.shape_cast %swap3A_282 : vector<1x16xf32> to vector<16xf32>
      %swap3A_284 = vector.shape_cast %scan3A_254#4 : vector<16xf32> to vector<1x16xf32>
      tpu.vector_store %arg7[%swap3A_280, %swap3A_281], %swap3A_284 {strides = array<i32>} : memref<128x128xf32, #tpu.memory_space<vmem>>, vector<1x16xf32>,
      %swap3A_285 = arith.index_cast %add3A_259 : i32 to index
      %swap3A_286 = arith.constant 80 : index
      %swap3A_287 = tpu.vector_load %arg7[%swap3A_285, %swap3A_286] {strides = array<i32>} : memref<128x128xf32, #tpu.memory_space<vmem>>, vector<1x16xf32>,
      %swap3A_288 = vector.shape_cast %swap3A_287 : vector<1x16xf32> to vector<16xf32>
      %swap3A_289 = vector.shape_cast %scan3A_254#5 : vector<16xf32> to vector<1x16xf32>
      tpu.vector_store %arg7[%swap3A_285, %swap3A_286], %swap3A_289 {strides = array<i32>} : memref<128x128xf32, #tpu.memory_space<vmem>>, vector<1x16xf32>,
      %swap3A_290 = arith.index_cast %add3A_259 : i32 to index
      %swap3A_291 = arith.constant 96 : index
      %swap3A_292 = tpu.vector_load %arg7[%swap3A_290, %swap3A_291] {strides = array<i32>} : memref<128x128xf32, #tpu.memory_space<vmem>>, vector<1x16xf32>,
      %swap3A_293 = vector.shape_cast %swap3A_292 : vector<1x16xf32> to vector<16xf32>
      %swap3A_294 = vector.shape_cast %scan3A_254#6 : vector<16xf32> to vector<1x16xf32>
      tpu.vector_store %arg7[%swap3A_290, %swap3A_291], %swap3A_294 {strides = array<i32>} : memref<128x128xf32, #tpu.memory_space<vmem>>, vector<1x16xf32>,
      %swap3A_295 = arith.index_cast %add3A_259 : i32 to index
      %swap3A_296 = arith.constant 112 : index
      %swap3A_297 = tpu.vector_load %arg7[%swap3A_295, %swap3A_296] {strides = array<i32>} : memref<128x128xf32, #tpu.memory_space<vmem>>, vector<1x16xf32>,
      %swap3A_298 = vector.shape_cast %swap3A_297 : vector<1x16xf32> to vector<16xf32>
      %swap3A_299 = vector.shape_cast %scan3A_254#7 : vector<16xf32> to vector<1x16xf32>
      tpu.vector_store %arg7[%swap3A_295, %swap3A_296], %swap3A_299 {strides = array<i32>} : memref<128x128xf32, #tpu.memory_space<vmem>>, vector<1x16xf32>,
      %mul3A_300 = arith.constant 2 : i32
      %mul3A_301 = arith.muli %add3A_217, %mul3A_300 : i32
      %add3A_302 = arith.constant 1 : i32
      %add3A_303 = arith.addi %mul3A_301, %add3A_302 : i32
      %swap3A_304 = arith.index_cast %add3A_303 : i32 to index
      %swap3A_305 = arith.constant 0 : index
      %swap3A_306 = tpu.vector_load %arg7[%swap3A_304, %swap3A_305] {strides = array<i32>} : memref<128x128xf32, #tpu.memory_space<vmem>>, vector<1x16xf32>,
      %swap3A_307 = vector.shape_cast %swap3A_306 : vector<1x16xf32> to vector<16xf32>
      %swap3A_308 = vector.shape_cast %scan3A_254#8 : vector<16xf32> to vector<1x16xf32>
      tpu.vector_store %arg7[%swap3A_304, %swap3A_305], %swap3A_308 {strides = array<i32>} : memref<128x128xf32, #tpu.memory_space<vmem>>, vector<1x16xf32>,
      %swap3A_309 = arith.index_cast %add3A_303 : i32 to index
      %swap3A_310 = arith.constant 16 : index
      %swap3A_311 = tpu.vector_load %arg7[%swap3A_309, %swap3A_310] {strides = array<i32>} : memref<128x128xf32, #tpu.memory_space<vmem>>, vector<1x16xf32>,
      %swap3A_312 = vector.shape_cast %swap3A_311 : vector<1x16xf32> to vector<16xf32>
      %swap3A_313 = vector.shape_cast %scan3A_254#9 : vector<16xf32> to vector<1x16xf32>
      tpu.vector_store %arg7[%swap3A_309, %swap3A_310], %swap3A_313 {strides = array<i32>} : memref<128x128xf32, #tpu.memory_space<vmem>>, vector<1x16xf32>,
      %swap3A_314 = arith.index_cast %add3A_303 : i32 to index
      %swap3A_315 = arith.constant 32 : index
      %swap3A_316 = tpu.vector_load %arg7[%swap3A_314, %swap3A_315] {strides = array<i32>} : memref<128x128xf32, #tpu.memory_space<vmem>>, vector<1x16xf32>,
      %swap3A_317 = vector.shape_cast %swap3A_316 : vector<1x16xf32> to vector<16xf32>
      %swap3A_318 = vector.shape_cast %scan3A_254#10 : vector<16xf32> to vector<1x16xf32>
      tpu.vector_store %arg7[%swap3A_314, %swap3A_315], %swap3A_318 {strides = array<i32>} : memref<128x128xf32, #tpu.memory_space<vmem>>, vector<1x16xf32>,
      %swap3A_319 = arith.index_cast %add3A_303 : i32 to index
      %swap3A_320 = arith.constant 48 : index
      %swap3A_321 = tpu.vector_load %arg7[%swap3A_319, %swap3A_320] {strides = array<i32>} : memref<128x128xf32, #tpu.memory_space<vmem>>, vector<1x16xf32>,
      %swap3A_322 = vector.shape_cast %swap3A_321 : vector<1x16xf32> to vector<16xf32>
      %swap3A_323 = vector.shape_cast %scan3A_254#11 : vector<16xf32> to vector<1x16xf32>
      tpu.vector_store %arg7[%swap3A_319, %swap3A_320], %swap3A_323 {strides = array<i32>} : memref<128x128xf32, #tpu.memory_space<vmem>>, vector<1x16xf32>,
      %swap3A_324 = arith.index_cast %add3A_303 : i32 to index
      %swap3A_325 = arith.constant 64 : index
      %swap3A_326 = tpu.vector_load %arg7[%swap3A_324, %swap3A_325] {strides = array<i32>} : memref<128x128xf32, #tpu.memory_space<vmem>>, vector<1x16xf32>,
      %swap3A_327 = vector.shape_cast %swap3A_326 : vector<1x16xf32> to vector<16xf32>
      %swap3A_328 = vector.shape_cast %scan3A_254#12 : vector<16xf32> to vector<1x16xf32>
      tpu.vector_store %arg7[%swap3A_324, %swap3A_325], %swap3A_328 {strides = array<i32>} : memref<128x128xf32, #tpu.memory_space<vmem>>, vector<1x16xf32>,
      %swap3A_329 = arith.index_cast %add3A_303 : i32 to index
      %swap3A_330 = arith.constant 80 : index
      %swap3A_331 = tpu.vector_load %arg7[%swap3A_329, %swap3A_330] {strides = array<i32>} : memref<128x128xf32, #tpu.memory_space<vmem>>, vector<1x16xf32>,
      %swap3A_332 = vector.shape_cast %swap3A_331 : vector<1x16xf32> to vector<16xf32>
      %swap3A_333 = vector.shape_cast %scan3A_254#13 : vector<16xf32> to vector<1x16xf32>
      tpu.vector_store %arg7[%swap3A_329, %swap3A_330], %swap3A_333 {strides = array<i32>} : memref<128x128xf32, #tpu.memory_space<vmem>>, vector<1x16xf32>,
      %swap3A_334 = arith.index_cast %add3A_303 : i32 to index
      %swap3A_335 = arith.constant 96 : index
      %swap3A_336 = tpu.vector_load %arg7[%swap3A_334, %swap3A_335] {strides = array<i32>} : memref<128x128xf32, #tpu.memory_space<vmem>>, vector<1x16xf32>,
      %swap3A_337 = vector.shape_cast %swap3A_336 : vector<1x16xf32> to vector<16xf32>
      %swap3A_338 = vector.shape_cast %scan3A_254#14 : vector<16xf32> to vector<1x16xf32>
      tpu.vector_store %arg7[%swap3A_334, %swap3A_335], %swap3A_338 {strides = array<i32>} : memref<128x128xf32, #tpu.memory_space<vmem>>, vector<1x16xf32>,
      %swap3A_339 = arith.index_cast %add3A_303 : i32 to index
      %swap3A_340 = arith.constant 112 : index
      %swap3A_341 = tpu.vector_load %arg7[%swap3A_339, %swap3A_340] {strides = array<i32>} : memref<128x128xf32, #tpu.memory_space<vmem>>, vector<1x16xf32>,
      %swap3A_342 = vector.shape_cast %swap3A_341 : vector<1x16xf32> to vector<16xf32>
      %swap3A_343 = vector.shape_cast %scan3A_254#15 : vector<16xf32> to vector<1x16xf32>
      tpu.vector_store %arg7[%swap3A_339, %swap3A_340], %swap3A_343 {strides = array<i32>} : memref<128x128xf32, #tpu.memory_space<vmem>>, vector<1x16xf32>,
      %scan3A_344 = arith.constant 0 : i32
      scf.yield %scan3A_344 : i32
    }
    %scan3A_20 = arith.constant 32 : i32
    %dma_wait3A = arith.constant 0 : i32
    %dma_wait3A_21 = arith.constant 0 : i32
    %dma_wait3A_22 = arith.constant 0 : i32
    %dma_wait3A_23 = arith.constant 0 : i32
    %dma_wait3A_24 = tpu.memref_slice %arg6[%dma_wait3A_21, %dma_wait3A_22, %dma_wait3A_23] : memref<2x100x128xf32, #tpu.memory_space<vmem>> -> memref<1x100x128xf32, #tpu.memory_space<vmem>>
    %dma_wait3A_25 = tpu.memref_squeeze %dma_wait3A_24 : memref<1x100x128xf32, #tpu.memory_space<vmem>> -> memref<100x128xf32, #tpu.memory_space<vmem>>
    %dma_wait3A_26 = arith.constant 0 : i32
    %dma_wait3A_27 = tpu.memref_slice %arg5[%dma_wait3A, %dma_wait3A_26] : memref<64x100xi32, #tpu.memory_space<vmem>> -> memref<1x100xi32, #tpu.memory_space<vmem>>
    %dma_wait3A_28 = tpu.memref_squeeze %dma_wait3A_27 : memref<1x100xi32, #tpu.memory_space<vmem>> -> memref<100xi32, #tpu.memory_space<vmem>>
    %dma_wait3A_29 = arith.constant 0 : i32
    %dma_wait3A_30 = arith.constant 0 : i32
    %dma_wait3A_31 = tpu.memref_slice %arg3[%dma_wait3A_29, %dma_wait3A_30] : memref<100000x128xf32, #tpu.memory_space<hbm>> -> memref<100000x128xf32, #tpu.memory_space<hbm>>
    tpu.wait_indirect_dma semaphore(%arg8 : memref<!tpu.dma_semaphore, #tpu.memory_space<semaphore_mem>>) src(%dma_wait3A_31 : memref<100000x128xf32, #tpu.memory_space<hbm>>) dst(%dma_wait3A_25 : memref<100x128xf32, #tpu.memory_space<vmem>>)
    %mul3A_32 = arith.constant 128 : i32
    %mul3A_33 = arith.muli %add3A, %mul3A_32 : i32
    "tpu.region"() ({
      %run_scoped3A = tpu.sem_alloc : memref<!tpu.dma_semaphore, #tpu.memory_space<semaphore_mem>>
      %dma_start3A_34 = arith.constant 0 : i32
      %dma_start3A_35 = tpu.memref_slice %arg4[%mul3A_33, %dma_start3A_34] : memref<4096x128xf32, #tpu.memory_space<hbm>> -> memref<128x128xf32, #tpu.memory_space<hbm>>
      %dma_start3A_36 = arith.constant 0 : i32
      %dma_start3A_37 = tpu.memref_slice %arg4[%mul3A_33, %dma_start3A_36] : memref<4096x128xf32, #tpu.memory_space<hbm>> -> memref<128x128xf32, #tpu.memory_space<hbm>>
      tpu.enqueue_dma source(%arg7 : memref<128x128xf32, #tpu.memory_space<vmem>>) target(%dma_start3A_37 : memref<128x128xf32, #tpu.memory_space<hbm>>) target_semaphore(%run_scoped3A : memref<!tpu.dma_semaphore, #tpu.memory_space<semaphore_mem>>)
      %dma_wait3A_38 = arith.constant 0 : i32
      %dma_wait3A_39 = tpu.memref_slice %arg4[%mul3A_33, %dma_wait3A_38] : memref<4096x128xf32, #tpu.memory_space<hbm>> -> memref<128x128xf32, #tpu.memory_space<hbm>>
      %dma_wait3A_40 = arith.constant 0 : i32
      %dma_wait3A_41 = tpu.memref_slice %arg4[%mul3A_33, %dma_wait3A_40] : memref<4096x128xf32, #tpu.memory_space<hbm>> -> memref<128x128xf32, #tpu.memory_space<hbm>>
      tpu.wait_dma2 semaphore(%run_scoped3A : memref<!tpu.dma_semaphore, #tpu.memory_space<semaphore_mem>>) src(%arg7 : memref<128x128xf32, #tpu.memory_space<vmem>>) dst(%dma_wait3A_41 : memref<128x128xf32, #tpu.memory_space<hbm>>)
      tpu.yield
    }) : () -> ()
    return
  }
}

</mosaic_0001>

<sc_bundles>
// kernel: _pool.3.cloned.1.call-start
scs
__scs_entry_jumppad:
0x0: {  	(pc) =	sbr.rel $0x88, $3  }
0x1: {  	(tag) =	ssettag $0x0;
	lr =	simm.s32 $0x1  }
0x2: {  	[smem:$0x3F9F] =	sst lr;
	_ =	strace $0xD0000000  }
0x3: {  	_ = 	snop  }
0x4: {  	_ = 	snop  }
0x5: {  	_ = 	snop  }
0x6: {  	_ = 	snop  }
0x7: {  	_ = 	snop  }
__scs_overlays_trampoline_lowered:
0x8: {  	[smem:$0x3FAE] =	sst s0  }
0x9: {  	[smem:$0x3FAF] =	sst s1  }
0xa: {  	[smem:$0x3FB0] =	sst s2  }
0xb: {  	[smem:$0x3FB1] =	sst s3  }
0xc: {  	[smem:$0x3FB2] =	sst s4  }
0xd: {  	[smem:$0x3FB3] =	sst s5  }
0xe: {  	[smem:$0x3FB4] =	sst s6  }
0xf: {  	[smem:$0x3FB5] =	sst s7  }
0x10: {  	[smem:$0x3FB6] =	sst s8  }
0x11: {  	[smem:$0x3FB7] =	sst s9;
	s0 =	simm.s32 @!p0 $0x0  }
0x12: {  	s1 =	sld [smem:$0x3F9D];
	s0 =	simm.s32 @p0 $0x1  }
0x13: {  	[smem:$0x3FB8] =	sst s0;
	s0 =	simm.s32 @!p1 $0x0  }
0x14: {  	s2 =	sld [smem:$0x3F9C];
	s0 =	simm.s32 @p1 $0x1  }
0x15: {  	[smem:$0x3FB9] =	sst s0;
	s0 =	simm.s32 @!p2 $0x0  }
0x16: {  	s3 =	sld [smem:$0x3FDB];
	s0 =	simm.s32 @p2 $0x1  }
0x17: {  	s4 =	simm.s32 $0x1BF5;
	[smem:$0x3FBB] =	sst s0  }
0x18: {  	s0 =	sld [smem:$0x3F9E];
	_ =	swait.ge [sflag:s4], $0x0  }
0x19: {  	s7 =	sld [smem:$0x3F9F]  }
0x1a: {  	s8 =	sadd.s32 $0xFFFFE003, lr  }
0x1b: {  	s9 =	sadd.s32 $0xFFFFFEF7, lr;
	s5 =	simm.s32 $0xFFFFFFFF;
	p2 =	slt.u32 s8, $0xFFFFF086  }
0x1c: {  	p1 =	slt.u32 s9, $0xF7A;
	s5 =	simm.s32 @!p2 $0x0  }
0x1d: {  	s5 =	simm.s32 @p1 $0x1;
	p0 =	seq.s32 s7, s2  }
0x1e: {  	s7 =	smul.u32 @!p0 $0xF7A, s2;
	p2 =	seq.s32 @!p0 s5, $0x0  }
0x1f: {  	s9 =	smul.u32 $0xF7A, s1;
	s8 =	simm.s32 @!p0 $0x1BF5;
	p2 =	por !p2, p0  }
0x20: {  	[sflag:s8] =	ssyncset.s32 @!p0 $0xFFFFF086;
	s6 =	sadd.s32 @!p0 s3, s7;
	s7 =	simm.s32 @!p0 $0x108  }
0x21: {  	s3 =	sadd.s32 s3, s9;
	s6 =	sadd.s32 @!p0 $0x88, s6;
	s7 =	simm.s32 @p2 $0x1082  }
0x22: {  	[simem:s7], [sflag:s8] =	dma.local @!p0 [hbm:s6], $0xF7A  }
0x23: {  	s9 =	sor.u32 $0xD0000000, s2;
	s6 =	simm.s32 $0x108;
	_ =	swait.ge @!p0 [sflag:s8], $0x0  }
0x24: {  	s3 =	sadd.s32 $0x88, s3;
	s6 =	simm.s32 @!p1 $0x1082;
	[sflag:s4] =	ssyncset.s32 $0xFFFFF086  }
0x25: {  	[simem:s6], [sflag:s4] =	dma.local [hbm:s3], $0xF7A  }
0x26: {  	[smem:$0x3F9F] =	sst s1;
	(tag) =	ssettag s2;
	_ =	strace s9  }
0x27: {  	s1 =	sld [smem:$0x3FAF]  }
0x28: {  	s2 =	sld [smem:$0x3FB0]  }
0x29: {  	s4 =	sld [smem:$0x3FB2]  }
0x2a: {  	p0 =	seq.s32 s5, $0x0;
	s5 =	sld [smem:$0x3FB3]  }
0x2b: {  	s6 =	sld [smem:$0x3FB4]  }
0x2c: {  	s7 =	sld [smem:$0x3FB5]  }
0x2d: {  	s3 =	simm.s32 $0x108;
	s8 =	sld [smem:$0x3FB6]  }
0x2e: {  	s3 =	simm.s32 @!p0 $0x1082;
	s9 =	sld [smem:$0x3FB7]  }
0x2f: {  	lr =	sadd.s32 s0, s3;
	s0 =	sld [smem:$0x3FAE]  }
0x30: {  	s3 =	sld [smem:$0x3FB1]  }
0x31: {  	[smem:$0x3FBA] =	sst s10  }
0x32: {  	s10 =	sld [smem:$0x3FB8];
	_ =	sdelay $0x3  }
0x33: {  	p0 =	seq.s32 s10, $0x1;
	s10 =	sld [smem:$0x3FBA];
	_ =	sdelay $0x3  }
0x34: {  	[smem:$0x3FBA] =	sst s10  }
0x35: {  	s10 =	sld [smem:$0x3FB9];
	_ =	sdelay $0x3  }
0x36: {  	p1 =	seq.s32 s10, $0x1;
	s10 =	sld [smem:$0x3FBA];
	_ =	sdelay $0x3  }
0x37: {  	[smem:$0x3FBA] =	sst s10  }
0x38: {  	s10 =	sld [smem:$0x3FBB]  }
0x39: {  	_ = 	snop;
	(pc) =	sbr.ind lr, $3  }
0x3a: {  	_ = 	snop  }
0x3b: {  	_ = 	snop  }
0x3c: {  	p2 =	seq.s32 s10, $0x1;
	s10 =	sld [smem:$0x3FBA]  }
0x3d: {  	_ =	shalt  }
0x3e: {  	_ =	shalt  }
0x3f: {  	_ =	shalt  }
0x40: {  	_ =	shalt  }
0x41: {  	_ =	shalt  }
0x42: {  	_ =	shalt  }
0x43: {  	_ =	shalt  }
0x44: {  	_ =	shalt  }
0x45: {  	_ =	shalt  }
0x46: {  	_ =	shalt  }
0x47: {  	_ =	shalt  }
0x48: {  	_ =	shalt  }
0x49: {  	_ =	shalt  }
0x4a: {  	_ =	shalt  }
0x4b: {  	_ =	shalt  }
0x4c: {  	_ =	shalt  }
0x4d: {  	_ =	shalt  }
0x4e: {  	_ =	shalt  }
0x4f: {  	_ =	shalt  }
0x50: {  	_ =	shalt  }
0x51: {  	_ =	shalt  }
0x52: {  	_ =	shalt  }
0x53: {  	_ =	shalt  }
0x54: {  	_ =	shalt  }
0x55: {  	_ =	shalt  }
0x56: {  	_ =	shalt  }
0x57: {  	_ =	shalt  }
0x58: {  	_ =	shalt  }
0x59: {  	_ =	shalt  }
0x5a: {  	_ =	shalt  }
0x5b: {  	_ =	shalt  }
0x5c: {  	_ =	shalt  }
0x5d: {  	_ =	shalt  }
0x5e: {  	_ =	shalt  }
0x5f: {  	_ =	shalt  }
0x60: {  	_ =	shalt  }
0x61: {  	_ =	shalt  }
0x62: {  	_ =	shalt  }
0x63: {  	_ =	shalt  }
0x64: {  	_ =	shalt  }
0x65: {  	_ =	shalt  }
0x66: {  	_ =	shalt  }
0x67: {  	_ =	shalt  }
0x68: {  	_ =	shalt  }
0x69: {  	_ =	shalt  }
0x6a: {  	_ =	shalt  }
0x6b: {  	_ =	shalt  }
0x6c: {  	_ =	shalt  }
0x6d: {  	_ =	shalt  }
0x6e: {  	_ =	shalt  }
0x6f: {  	_ =	shalt  }
0x70: {  	_ =	shalt  }
0x71: {  	_ =	shalt  }
0x72: {  	_ =	shalt  }
0x73: {  	_ =	shalt  }
0x74: {  	_ =	shalt  }
0x75: {  	_ =	shalt  }
0x76: {  	_ =	shalt  }
0x77: {  	_ =	shalt  }
0x78: {  	_ =	shalt  }
0x79: {  	_ =	shalt  }
0x7a: {  	_ =	shalt  }
0x7b: {  	_ =	shalt  }
0x7c: {  	_ =	shalt  }
0x7d: {  	_ =	shalt  }
0x7e: {  	_ =	shalt  }
0x7f: {  	_ =	shalt  }
0x80: {  	_ =	shalt  }
0x81: {  	_ =	shalt  }
0x82: {  	_ =	shalt  }
0x83: {  	_ =	shalt  }
0x84: {  	_ =	shalt  }
0x85: {  	_ =	shalt  }
0x86: {  	_ =	shalt  }
0x87: {  	_ =	shalt  }
.Lfunc_end0:
.L_simem_size_0:
called_computation_lowered:
.L_overlay_start_0:
0x88: {  	s2 =	sld [smem:$0x3FD9]  }
0x89: {  	s3 =	sld [smem:$0x3FFE];
	_ =	sdelay $0x1  }
0x8a: {  	s1 =	srdreg.scid  }
0x8b: {  	s0 =	sand.u32 $0x1, s1  }
0x8c: {  	s17 =	sshll.u32 s0, $0xA;
	s2 =	sadd.s32 s3, s2  }
0x8d: {  	s2 =	sadd.s32 s2, s17  }
0x8e: {  	[smem:$0x3FC6] =	sst s2  }
0x8f: {  	_ = 	snop  }
0x90: {  	s2 =	sld [smem:$0x3FC8]  }
0x91: {  	s18 =	sld [smem:$0x3FD0];
	(tm) =	ssettm $0x1  }
0x92: {  	s4 =	sld [smem:$0x3FFB];
	_ =	sdelay $0x3  }
0x93: {  	_ =	strace s4  }
0x94: {  	s4 =	sld [smem:$0x3FFC];
	_ =	sdelay $0x3  }
0x95: {  	_ =	strace s4  }
0x96: {  	s4 =	sld [smem:$0x3FFD];
	_ =	sdelay $0x3  }
0x97: {  	_ =	strace s4  }
0x98: {  	_ =	strace $0x8FFFFFFF  }
0x99: {  	s19 =	sld [smem:$0x3FDB];
	_ =	sdelay $0x1  }
0x9a: {  	s5 =	simm.s32 $_scs_section_size  }
0x9b: {  	s6 =	simm.s32 $_size__tile_overlayer_lowered;
	s7 =	simm.s32 $_tile_overlayer_lowered  }
0x9c: {  	s22 =	simm.s32 $0x1BFF;
	s21 =	sshll.u32 s7, $0x1;
	s4 =	sadd.s32 s5, s19  }
0x9d: {  	s8 =	simm.s32 $0x0;
	s20 =	sshll.u32 s6, $0x1;
	s6 =	sadd.s32 s21, s4  }
0x9e: {  	[timem:s8], [sflag:s22] =	dma.local [hbm:s6], s20  }
0x9f: {  	_ =	swait.ge [sflag:s22], s20  }
0xa0: {  	s5 =	ssub.s32 $0x0, s20;
	[sflag:s22] =	ssyncset.done $0x0  }
0xa1: {  	[sflag:s22] =	ssyncadd.s32 s5;
	_ =	sdelay $0x1  }
0xa2: {  	s23 =	simm.s32 $0x1B8B  }
0xa3: {  	_ =	swait.ge [sflag:s23], $0x1  }
0xa4: {  	[sflag:s23] =	ssyncset.done $0x0  }
0xa5: {  	s25 =	simm.s32 $0x1B8E;
	s24 =	sld [smem:$0x3FFE];
	[sflag:s23] =	ssyncadd.s32 $0xFFFFFFFF  }
0xa6: {  	s26 =	simm.s32 $execute0_lowered;
	[smem:$0x3FD2] =	sst s25  }
0xa7: {  	s6 =	sshll.u32 s26, $0x1;
	_ =	strace $0x80000046;
	[dreg:$0x1] =	wrdreg $0xFFFFFFFF  }
0xa8: {  	s28 =	simm.s32 $_size_execute0_lowered;
	s4 =	sadd.s32 s4, s6;
	[dreg:$0x0] =	wrdreg $0x0  }
0xa9: {  	s6 =	sshll.u32 s28, $0x1;
	[dreg:$0x2] =	wrdreg s4  }
0xaa: {  	[dreg:$0x3] =	wrdreg s6  }
0xab: {  	[dreg:$0x4] =	wrdreg $0xC0  }
0xac: {  	_ =	task [dreg:s8], $0x5FFFF  }
0xad: {  	[dreg:$0x1] =	wrdreg $0xFFFFFFFF  }
0xae: {  	[dreg:$0x0] =	wrdreg $0x60  }
0xaf: {  	[dreg:$0x2] =	wrdreg s24  }
0xb0: {  	[dreg:$0x3] =	wrdreg s2  }
0xb1: {  	[dreg:$0x4] =	wrdreg s18  }
0xb2: {  	[dreg:$0x5] =	wrdreg $0x9  }
0xb3: {  	_ =	task.clear_ibuf [dreg:s8], $0x6FFFF;
	_ =	strace $0x90000046  }
0xb4: {  	s29 =	simm.s32 $0x9;
	_ =	strace $0x80000048  }
0xb5: {  	_ =	swait.ge [sflag:s29], $0x1  }
0xb6: {  	[sflag:s29] =	ssyncadd.s32 $0xFFFFFFFF  }
0xb7: {  	_ =	strace $0x90000048  }
0xb8: {  	_ =	sfence  }
0xb9: {  	s30 =	sld [smem:$0x0];
	_ =	sdelay $0x2  }
0xba: {  	s31 =	sshll.u32 s1, $0xD;
	s1 =	sshrl.u32 s1, $0x2  }
0xbb: {  	s3 =	sand.u32 $0x4000, s31;
	s1 =	sadd.s32 s1, s30  }
0xbc: {  	s0 =	sor.u32 s3, s0;
	s1 =	sshll.u32 s1, $0x11  }
0xbd: {  	s0 =	sor.u32 s1, s0  }
0xbe: {  	s0 =	sadd.s32 $0x8F2B, s0  }
0xbf: {  	[sflag:s0] =	ssyncadd.remote.s32 $0x1  }
0xc0: {  	_ =	sfence.sel $0xFFFF  }
0xc1: {  	[dreg:$0x0] =	wrdreg $0xFFFFFFFF;
	(pc) =	sbr.abs _section_cstart, $3  }
0xc2: {  	[dreg:$0x1] =	wrdreg $0xFFFFFFFF  }
0xc3: {  	_ =	task.clear_ibuf [dreg:s8], $0x2FFFF;
	_ =	strace $0x9FFFFFFF  }
0xc4: {  	(tm) =	ssettm $0x7FFFFFFF  }
0xc5: {  	_ =	shalt  }
tec
execute0_lowered:
.L_overlay_start_1:
0x0: {  	(tag) =	ssettag $0x1  }
0x1: {  	s4 =	rddreg [dreg:$0x0]  }
0x2: {  	s2 =	rddreg [dreg:$0x1]  }
0x3: {  	s5 =	rddreg [dreg:$0x2]  }
0x4: {  	s0 =	rddreg [dreg:$0x3]  }
0x5: {  	s6 =	srdreg.scid;
	s1 =	stileid.u32  }
0x6: {  	s3 =	simm.s32 $0x0;
	s9 =	simm.s32 $0x2000;
	s10 =	simm.s32 $0x5400  }
0x7: {  	s11 =	simm.s32 $0x1;
	s12 =	simm.s32 $0x2;
	s13 =	simm.s32 $0x8800  }
0x8: {  	s14 =	simm.s32 $0x0;
	s6 =	sand.u32 $0x1, s6;
	s7 =	sshll.u32 s1, $0x1  }
0x9: {  	s20 =	simm.s32 $0x40;
	[smem:$0x7FF] =	sst s3;
	s7 =	sor.u32 s6, s7  }
0xa: {  	_ =	strace $0x80000047;
	s6 =	ssub.s32 $0x2, s6;
	s8 =	sshll.u32 s7, $0xA  }
0xb: {  	s31 =	sshrl.u32 s6, $0x1;
	s7 =	sshll.u32 s7, $0xB;
	s4 =	sadd.s32 s8, s4  }
0xc: {  	s6 =	ssub.s32 s6, s31;
	s5 =	sadd.s32 s5, s7;
	s7 =	simm.s32 $0x3  }
0xd: {  	s8 =	simm.s32 $0x64;
	s4 =	sadd.s32 $0x400, s4;
	s6 =	smax.u32 s6, $0x1  }
.LBB2_1:
0xe: {  	[tilespmem:s3], [sflag:$0x3] =	stream.linear.gather [hbm4b:s4+s3], $0x2000, $0x38;
	[tilespmem:$0xC800] =	vst v63  }
0xf: {  	_ =	swait.ge [sflag:s7], $0x2000  }
0x10: {  	[sflag:s7] =	ssyncset.done $0x0  }
0x11: {  	s15 =	simm.s32 $0x0;
	[sflag:s7] =	ssyncadd.s32 $0xFFFFE000  }
0x12: {  	[tilespmem:s9], [sflag:$0x1] =	stream.indirect.gather [hbm4b:s2+s8], $0x80, s3, s8, $0xb8;
	[tilespmem:$0xC800] =	vst v63  }
.LBB2_2:
0x13: {  	s16 =	sshllo.u32 s15, $0x1  }
0x14: {  	s17 =	sshll.u32 s16, $0x7  }
0x15: {  	s17 =	sand.u32 $0x3FFFFF80, s17  }
0x16: {  	[tilespmem:s10], [sflag:$0x2] =	stream.indirect.gather [hbm4b:s2+s8], $0x80, s17, s8, $0xb8;
	[tilespmem:$0xC800] =	vst v63  }
0x17: {  	_ =	swait.ge [sflag:s11], $0x3200  }
0x18: {  	[sflag:s11] =	ssyncset.done $0x0  }
0x19: {  	[sflag:s11] =	ssyncadd.s32 $0xFFFFCE00  }
0x1a: {  	v0 =	vld [tilespmem:s20+$0x3930]  }
0x1b: {  	v2 =	vld [tilespmem:s20+$0x1FC0]  }
0x1c: {  	v3 =	vld [tilespmem:s20+$0x1FD0]  }
0x1d: {  	v4 =	vld [tilespmem:s20+$0x1FE0]  }
0x1e: {  	v5 =	vld [tilespmem:s20+$0x1FF0]  }
0x1f: {  	v6 =	vld [tilespmem:s20+$0x2000]  }
0x20: {  	v7 =	vld [tilespmem:s20+$0x2010]  }
0x21: {  	v9 =	vld [tilespmem:s20+$0x2020]  }
0x22: {  	v10 =	vld [tilespmem:s20+$0x2030]  }
0x23: {  	v1 =	vimm.f32 $0.0e+00;
	v16 =	vld [tilespmem:s20+$0x38C0]  }
0x24: {  	v20 =	vld [tilespmem:s20+$0x38D0];
	v0 =	vadd.f32 v0, v1  }
0x25: {  	v15 =	vadd.f32 v2, v1;
	v14 =	vadd.f32 v3, v1  }
0x26: {  	v17 =	vld [tilespmem:s20+$0x38E0];
	v13 =	vadd.f32 v4, v1;
	v11 =	vadd.f32 v5, v1  }
0x27: {  	v18 =	vld [tilespmem:s20+$0x38F0];
	v12 =	vadd.f32 v6, v1;
	v8 =	vadd.f32 v7, v1  }
0x28: {  	v19 =	vld [tilespmem:s20+$0x3900];
	v9 =	vadd.f32 v9, v1;
	v7 =	vadd.f32 v10, v1  }
0x29: {  	v4 =	vadd.f32 v16, v1;
	v16 =	vld [tilespmem:s20+$0x3910];
	v3 =	vadd.f32 v20, v1;
	v5 =	vimm.f32 $0.0e+00  }
0x2a: {  	s18 =	simm.s32 $0xC0;
	s19 =	simm.s32 $0x500;
	s17 =	sshll.u32 s15, $0x1;
	v20 =	vld [tilespmem:s20+$0x3920];
	v10 =	vimm.f32 $0.0e+00;
	v6 =	vimm.f32 $0.0e+00;
	v2 =	vimm.f32 $0.0e+00  }
.LBB2_3:
0x2b: {  	p0 =	sne.s32 s19, $0x6300;
	v21 =	vld [tilespmem:s18+$0x3930];
	v1 =	vadd.f32 v17, v1  }
0x2c: {  	v17 =	vld [tilespmem:s18+$0x1FC0];
	v5 =	vadd.f32 v18, v5  }
0x2d: {  	v18 =	vld [tilespmem:s18+$0x1FD0];
	v10 =	vadd.f32 v19, v10  }
0x2e: {  	v19 =	vld [tilespmem:s18+$0x1FE0];
	v6 =	vadd.f32 v16, v6  }
0x2f: {  	v16 =	vld [tilespmem:s18+$0x1FF0];
	v2 =	vadd.f32 v20, v2  }
0x30: {  	v20 =	vld [tilespmem:s18+$0x2000];
	v0 =	vadd.f32 v21, v0  }
0x31: {  	v15 =	vadd.f32 v17, v15;
	v17 =	vld [tilespmem:s18+$0x2010]  }
0x32: {  	v14 =	vadd.f32 v18, v14;
	v18 =	vld [tilespmem:s18+$0x2020]  }
0x33: {  	v13 =	vadd.f32 v19, v13;
	v19 =	vld [tilespmem:s18+$0x2030]  }
0x34: {  	v11 =	vadd.f32 v16, v11;
	v16 =	vld [tilespmem:s18+$0x38C0]  }
0x35: {  	v12 =	vadd.f32 v20, v12;
	v20 =	vld [tilespmem:s18+$0x38D0]  }
.Ltmp0:
0x36: {  	v8 =	vadd.f32 v17, v8;
	v17 =	vld [tilespmem:s18+$0x38E0];
	(pc) =	sbr.rel @p0 .LBB2_3-.Ltmp0, $4  }
0x37: {  	v9 =	vadd.f32 v18, v9;
	v18 =	vld [tilespmem:s18+$0x38F0]  }
0x38: {  	v7 =	vadd.f32 v19, v7;
	v19 =	vld [tilespmem:s18+$0x3900]  }
0x39: {  	v4 =	vadd.f32 v16, v4;
	v16 =	vld [tilespmem:s18+$0x3910]  }
0x3a: {  	v3 =	vadd.f32 v20, v3;
	v20 =	vld [tilespmem:s18+$0x3920];
	s18 =	sshra.s32 s19, $0x2;
	s19 =	sadd.s32 $0x200, s19  }
0x3b: {  	v21 =	vld [tilespmem:s18+$0x3930]  }
0x3c: {  	v22 =	vld [tilespmem:s18+$0x1FC0]  }
0x3d: {  	v23 =	vld [tilespmem:s18+$0x1FD0]  }
0x3e: {  	v24 =	vld [tilespmem:s18+$0x1FE0]  }
0x3f: {  	v25 =	vld [tilespmem:s18+$0x1FF0]  }
0x40: {  	v26 =	vld [tilespmem:s18+$0x2000]  }
0x41: {  	v27 =	vld [tilespmem:s18+$0x2010]  }
0x42: {  	v28 =	vld [tilespmem:s18+$0x2020]  }
0x43: {  	v29 =	vld [tilespmem:s18+$0x2030]  }
0x44: {  	v30 =	vld [tilespmem:s18+$0x38C0]  }
0x45: {  	v31 =	vld [tilespmem:s18+$0x38D0]  }
0x46: {  	v32 =	vld [tilespmem:s18+$0x38E0]  }
0x47: {  	v33 =	vld [tilespmem:s18+$0x38F0]  }
0x48: {  	v34 =	vld [tilespmem:s18+$0x3900];
	s19 =	sshll.u32 s15, $0x9;
	v15 =	vadd.f32 v22, v15  }
0x49: {  	s30 =	sand.u32 $0x3FFFFE00, s19;
	v22 =	vld [tilespmem:s18+$0x3910];
	v14 =	vadd.f32 v23, v14  }
0x4a: {  	v23 =	vld [tilespmem:s18+$0x3920];
	v13 =	vadd.f32 v24, v13;
	[tilespmem:s30+$0x8800] =	vst v15  }
0x4b: {  	v11 =	vadd.f32 v25, v11;
	[tilespmem:s30+$0x8810] =	vst v14  }
0x4c: {  	v12 =	vadd.f32 v26, v12;
	[tilespmem:s30+$0x8820] =	vst v13  }
0x4d: {  	v8 =	vadd.f32 v27, v8;
	[tilespmem:s30+$0x8830] =	vst v11  }
0x4e: {  	v9 =	vadd.f32 v28, v9;
	[tilespmem:s30+$0x8840] =	vst v12  }
0x4f: {  	v7 =	vadd.f32 v29, v7;
	[tilespmem:s30+$0x8850] =	vst v8  }
0x50: {  	v1 =	vadd.f32 v17, v1;
	v4 =	vadd.f32 v30, v4;
	[tilespmem:s30+$0x8860] =	vst v9  }
0x51: {  	v5 =	vadd.f32 v18, v5;
	v3 =	vadd.f32 v31, v3;
	[tilespmem:s30+$0x8870] =	vst v7  }
0x52: {  	v1 =	vadd.f32 v32, v1;
	[tilespmem:s30+$0x8880] =	vst v4  }
0x53: {  	v5 =	vadd.f32 v33, v5;
	v7 =	vadd.f32 v19, v10;
	[tilespmem:s30+$0x8890] =	vst v3  }
0x54: {  	v0 =	vadd.f32 v21, v0;
	v4 =	vadd.f32 v16, v6;
	[tilespmem:s30+$0x88A0] =	vst v1  }
0x55: {  	v2 =	vadd.f32 v20, v2;
	[tilespmem:s30+$0x88B0] =	vst v5;
	v3 =	vadd.f32 v34, v7  }
0x56: {  	[tilespmem:s30+$0x88F0] =	vst v0;
	v1 =	vadd.f32 v22, v4  }
0x57: {  	s17 =	smin.u32 s17, $0x3D;
	v2 =	vadd.f32 v23, v2;
	[tilespmem:s30+$0x88C0] =	vst v3  }
0x58: {  	s17 =	sshll.u32 s17, $0x7;
	[tilespmem:s30+$0x88D0] =	vst v1  }
0x59: {  	s17 =	sadd.s32 $0x100, s17;
	[tilespmem:s30+$0x88E0] =	vst v2  }
0x5a: {  	[tilespmem:s9], [sflag:$0x1] =	stream.indirect.gather [hbm4b:s2+s8], $0x80, s17, s8, $0xb8;
	[tilespmem:$0xC800] =	vst v63  }
0x5b: {  	_ =	swait.ge [sflag:s12], $0x3200  }
0x5c: {  	[sflag:s12] =	ssyncset.done $0x0  }
0x5d: {  	s31 =	simm.s32 $0x0;
	[sflag:s12] =	ssyncadd.s32 $0xFFFFCE00  }
0x5e: {  	v0 =	vld [tilespmem:s31+$0x6D70]  }
0x5f: {  	v2 =	vld [tilespmem:s31+$0x5400]  }
0x60: {  	v3 =	vld [tilespmem:s31+$0x5410]  }
0x61: {  	v4 =	vld [tilespmem:s31+$0x5420]  }
0x62: {  	v5 =	vld [tilespmem:s31+$0x5430]  }
0x63: {  	v6 =	vld [tilespmem:s31+$0x5440]  }
0x64: {  	v7 =	vld [tilespmem:s31+$0x5450]  }
0x65: {  	v8 =	vld [tilespmem:s31+$0x5460]  }
0x66: {  	v16 =	vld [tilespmem:s31+$0x5470]  }
0x67: {  	v1 =	vimm.f32 $0.0e+00;
	v20 =	vld [tilespmem:s31+$0x6D00]  }
0x68: {  	v21 =	vld [tilespmem:s31+$0x6D10];
	v0 =	vadd.f32 v0, v1  }
0x69: {  	v15 =	vadd.f32 v2, v1;
	v14 =	vadd.f32 v3, v1  }
0x6a: {  	v17 =	vld [tilespmem:s31+$0x6D20];
	v13 =	vadd.f32 v4, v1;
	v11 =	vadd.f32 v5, v1  }
0x6b: {  	v18 =	vld [tilespmem:s31+$0x6D30];
	v12 =	vadd.f32 v6, v1;
	v9 =	vadd.f32 v7, v1  }
0x6c: {  	v19 =	vld [tilespmem:s31+$0x6D40];
	v10 =	vadd.f32 v8, v1;
	v7 =	vadd.f32 v16, v1  }
0x6d: {  	v5 =	vadd.f32 v20, v1;
	v16 =	vld [tilespmem:s31+$0x6D50];
	v3 =	vadd.f32 v21, v1;
	v6 =	vimm.f32 $0.0e+00  }
0x6e: {  	s18 =	simm.s32 $0x400;
	s17 =	simm.s32 $0x80;
	v20 =	vld [tilespmem:s31+$0x6D60];
	v8 =	vimm.f32 $0.0e+00;
	v4 =	vimm.f32 $0.0e+00;
	v2 =	vimm.f32 $0.0e+00  }
.LBB2_5:
0x6f: {  	p0 =	sne.s32 s18, $0x6200;
	v21 =	vld [tilespmem:s17+$0x6D70];
	v1 =	vadd.f32 v17, v1  }
0x70: {  	v17 =	vld [tilespmem:s17+$0x5400];
	v6 =	vadd.f32 v18, v6  }
0x71: {  	v18 =	vld [tilespmem:s17+$0x5410];
	v8 =	vadd.f32 v19, v8  }
0x72: {  	v19 =	vld [tilespmem:s17+$0x5420];
	v4 =	vadd.f32 v16, v4  }
0x73: {  	v16 =	vld [tilespmem:s17+$0x5430];
	v2 =	vadd.f32 v20, v2  }
0x74: {  	v20 =	vld [tilespmem:s17+$0x5440];
	v0 =	vadd.f32 v21, v0  }
0x75: {  	v15 =	vadd.f32 v17, v15;
	v17 =	vld [tilespmem:s17+$0x5450]  }
0x76: {  	v14 =	vadd.f32 v18, v14;
	v18 =	vld [tilespmem:s17+$0x5460]  }
0x77: {  	v13 =	vadd.f32 v19, v13;
	v19 =	vld [tilespmem:s17+$0x5470]  }
0x78: {  	v11 =	vadd.f32 v16, v11;
	v16 =	vld [tilespmem:s17+$0x6D00]  }
0x79: {  	v12 =	vadd.f32 v20, v12;
	v20 =	vld [tilespmem:s17+$0x6D10]  }
.Ltmp1:
0x7a: {  	v9 =	vadd.f32 v17, v9;
	v17 =	vld [tilespmem:s17+$0x6D20];
	(pc) =	sbr.rel @p0 .LBB2_5-.Ltmp1, $4  }
0x7b: {  	v10 =	vadd.f32 v18, v10;
	v18 =	vld [tilespmem:s17+$0x6D30]  }
0x7c: {  	v7 =	vadd.f32 v19, v7;
	v19 =	vld [tilespmem:s17+$0x6D40]  }
0x7d: {  	v5 =	vadd.f32 v16, v5;
	v16 =	vld [tilespmem:s17+$0x6D50]  }
0x7e: {  	v3 =	vadd.f32 v20, v3;
	v20 =	vld [tilespmem:s17+$0x6D60];
	s17 =	sshra.s32 s18, $0x2;
	s18 =	sadd.s32 $0x200, s18  }
0x7f: {  	v21 =	vld [tilespmem:s17+$0x6D70]  }
0x80: {  	v22 =	vld [tilespmem:s17+$0x5400]  }
0x81: {  	v23 =	vld [tilespmem:s17+$0x5410]  }
0x82: {  	v24 =	vld [tilespmem:s17+$0x5420]  }
0x83: {  	v25 =	vld [tilespmem:s17+$0x5430]  }
0x84: {  	v26 =	vld [tilespmem:s17+$0x5440]  }
0x85: {  	v27 =	vld [tilespmem:s17+$0x5450]  }
0x86: {  	v28 =	vld [tilespmem:s17+$0x5460]  }
0x87: {  	v29 =	vld [tilespmem:s17+$0x5470]  }
0x88: {  	v30 =	vld [tilespmem:s17+$0x6D00]  }
0x89: {  	v31 =	vld [tilespmem:s17+$0x6D10]  }
0x8a: {  	v32 =	vld [tilespmem:s17+$0x6D20]  }
0x8b: {  	v33 =	vld [tilespmem:s17+$0x6D30]  }
0x8c: {  	v34 =	vld [tilespmem:s17+$0x6D40];
	s16 =	sshll.u32 s16, $0x8;
	v15 =	vadd.f32 v22, v15  }
0x8d: {  	v58 =	vld [tilespmem:s17+$0x6D50];
	s16 =	sand.u32 $0x3FFFFF00, s16;
	v14 =	vadd.f32 v23, v14  }
0x8e: {  	v59 =	vld [tilespmem:s17+$0x6D60];
	v13 =	vadd.f32 v24, v13;
	[tilespmem:s16+$0x8800] =	vst v15  }
0x8f: {  	v11 =	vadd.f32 v25, v11;
	[tilespmem:s16+$0x8810] =	vst v14  }
0x90: {  	v12 =	vadd.f32 v26, v12;
	[tilespmem:s16+$0x8820] =	vst v13  }
0x91: {  	v9 =	vadd.f32 v27, v9;
	[tilespmem:s16+$0x8830] =	vst v11  }
0x92: {  	v10 =	vadd.f32 v28, v10;
	[tilespmem:s16+$0x8840] =	vst v12  }
0x93: {  	v7 =	vadd.f32 v29, v7;
	[tilespmem:s16+$0x8850] =	vst v9  }
0x94: {  	v1 =	vadd.f32 v17, v1;
	v5 =	vadd.f32 v30, v5;
	[tilespmem:s16+$0x8860] =	vst v10  }
0x95: {  	v6 =	vadd.f32 v18, v6;
	v3 =	vadd.f32 v31, v3;
	[tilespmem:s16+$0x8870] =	vst v7  }
0x96: {  	v60 =	vadd.f32 v19, v8;
	v1 =	vadd.f32 v32, v1;
	[tilespmem:s16+$0x8880] =	vst v5  }
0x97: {  	s15 =	sadd.s32 $0x1, s15;
	v4 =	vadd.f32 v16, v4;
	v61 =	vadd.f32 v33, v6;
	[tilespmem:s16+$0x8890] =	vst v3  }
0x98: {  	p0 =	sne.s32 s15, $0x20;
	v62 =	vadd.f32 v34, v60;
	[tilespmem:s16+$0x88A0] =	vst v1  }
.Ltmp2:
0x99: {  	v2 =	vadd.f32 v20, v2;
	v63 =	vadd.f32 v58, v4;
	[tilespmem:s16+$0x88B0] =	vst v61;
	(pc) =	sbr.rel @p0 .LBB2_2-.Ltmp2, $4  }
0x9a: {  	v0 =	vadd.f32 v21, v0;
	[tilespmem:s16+$0x88C0] =	vst v62  }
0x9b: {  	v2 =	vadd.f32 v59, v2;
	[tilespmem:s16+$0x88D0] =	vst v63  }
0x9c: {  	[tilespmem:s16+$0x88F0] =	vst v0  }
0x9d: {  	[tilespmem:s16+$0x88E0] =	vst v2  }
0x9e: {  	_ =	swait.ge [sflag:s11], $0x3200;
	s14 =	sadd.s32 $0x1, s14  }
0x9f: {  	[sflag:s11] =	ssyncset.done $0x0;
	p0 =	sne.s32 s14, s6  }
.Ltmp3:
0xa0: {  	[sflag:s11] =	ssyncadd.s32 $0xFFFFCE00;
	(pc) =	sbr.rel @p0 .LBB2_1-.Ltmp3, $4  }
0xa1: {  	[hbm4b:s5+s3] =	stream.linear.scatter [tilespmem:s13], [sflag:$0x3], $0x4000, $0x38;
	[tilespmem:$0xC800] =	vst v63  }
0xa2: {  	_ =	swait.ge [sflag:s7], $0x4000  }
0xa3: {  	[sflag:s7] =	ssyncset.done $0x0  }
0xa4: {  	[sflag:s7] =	ssyncadd.s32 $0xFFFFC000  }
0xa5: {  	_ =	sfence.sel $0x180000  }
0xa6: {  	[bflag:$0x0] =	sbarrier.arrive $0xFFFF  }
0xa7: {  	p0 =	sne.s32 s1, $0x0;
	_ =	strace $0x90000047  }
0xa8: {  	s0 =	sadd.s32 @!p0 $0x100000, s0;
	[bflag:$0x2] =	sbarrier.arrive $0xFFFF  }
0xa9: {  	[sflag:s0] =	ssyncadd.tile.s32 @!p0 $0x1;
	_ =	shalt  }
.Lfunc_end2:
_tile_overlayer_lowered:
.L_overlay_start_2:
0xaa: {  	(tag) =	ssettag $0x2  }
0xab: {  	s0 =	rddreg [dreg:$0x0];
	s2 =	stileid.u32  }
0xac: {  	s1 =	rddreg [dreg:$0x1];
	p0 =	sne.s32 s2, $0x0  }
0xad: {  	s3 =	rddreg [dreg:$0x2];
	[bflag:$0x3] =	sbarrier.arrive $0xFFFF;
	s2 =	simm.s32 @!p0 $0x1C03  }
0xae: {  	[timem:s3], [sflag:s2] =	dma.local @!p0 [hbm:s0], s1  }
0xaf: {  	s0 =	simm.s32 @!p0 $0x3  }
0xb0: {  	_ =	swait.ge @!p0 [sflag:s0], s1  }
0xb1: {  	s1 =	ssub.s32 @!p0 $0x0, s1;
	[sflag:s0] =	ssyncset.done @!p0 $0x0  }
0xb2: {  	[sflag:s0] =	ssyncadd.s32 @!p0 s1  }
0xb3: {  	[bflag:$0x3] =	sbarrier.arrive $0xFFFF  }
0xb4: {  	_ =	shalt  }

</sc_bundles>
